<compile_context>
chip_gen: v7x
topology: tpu7x:2x2x1
jax: 0.10.2.dev20260603
libtpu: 0.0.44.dev20260713+nightly
codegen_flags: <defaults>
</compile_context>

<pallas_src>
import functools

import jax
import jax.numpy as jnp
from jax import lax
from jax.experimental import pallas as pl
from jax.experimental.pallas import tpu as pltpu
from jax.experimental.pallas import tpu_sc as plsc

N = 10000
E = 320000
D = 128
DH = D // 2

NC = 2
NS = 16
NW = NC * NS
L = 16
B = 128
CHP = 2560
E_PAD = CHP * B
NCHUNK = CHP // NS
N_PAD = 10240
ROWS_PT = N_PAD // NS
NBUF = 2
NGRP = NCHUNK // NBUF
PACK = 1 << 14

_mesh = plsc.VectorSubcoreMesh(
    core_axis_name="c", subcore_axis_name="s", num_cores=NC, num_subcores=NS
)


@functools.partial(
    pl.kernel,
    out_type=jax.ShapeDtypeStruct((NC, 1, N_PAD), jnp.float32),
    mesh=_mesh,
    scratch_types=[
        pltpu.VMEM((CHP // NW, B), jnp.int32),
        pltpu.VMEM((B,), jnp.float32),
        pltpu.VMEM_SHARED((N_PAD,), jnp.float32),
        pltpu.SemaphoreType.DMA,
    ],
)
def _sc_degree(dst_hbm, ones_hbm, zeros_hbm, out_hbm, dst_v, ones_v, deg_sh, sem):
    c = lax.axis_index("c")
    s = lax.axis_index("s")
    w = c * NS + s
    nch = CHP // NW
    pltpu.sync_copy(
        zeros_hbm.at[pl.ds(s * ROWS_PT, ROWS_PT)],
        deg_sh.at[pl.ds(s * ROWS_PT, ROWS_PT)],
    )
    pltpu.sync_copy(dst_hbm.at[pl.ds(w * nch, nch)], dst_v)
    pltpu.sync_copy(ones_hbm, ones_v)
    plsc.subcore_barrier()

    def fire(j, carry):
        pltpu.async_copy(ones_v, deg_sh.at[dst_v.at[j]], sem, add=True)
        return carry

    lax.fori_loop(0, nch, fire, 0)

    def drain(j, carry):
        pltpu.make_async_copy(ones_v, deg_sh.at[dst_v.at[j]], sem).wait()
        return carry

    lax.fori_loop(0, nch, drain, 0)
    plsc.subcore_barrier()
    pltpu.sync_copy(
        deg_sh.at[pl.ds(s * ROWS_PT, ROWS_PT)],
        out_hbm.at[c, 0, pl.ds(s * ROWS_PT, ROWS_PT)],
    )


@functools.partial(
    pl.kernel,
    out_type=jax.ShapeDtypeStruct((NC, N_PAD, DH), jnp.float32),
    mesh=_mesh,
    scratch_types=[
        pltpu.VMEM((NCHUNK, B), jnp.int32),
        pltpu.VMEM((NBUF, B), jnp.int32),
        pltpu.VMEM((NBUF, B), jnp.int32),
        pltpu.VMEM((NBUF, B, DH), jnp.float32),
        pltpu.VMEM_SHARED((N_PAD, DH), jnp.float32),
        pltpu.VMEM_SHARED((N_PAD, DH), jnp.float32),
        pltpu.SemaphoreType.DMA((NBUF,)),
        pltpu.SemaphoreType.DMA((NBUF,)),
    ],
    compiler_params=pltpu.CompilerParams(use_tc_tiling_on_sc=False),
)
def _sc_scatter(hp2_hbm, pk_hbm, zeros_hbm, out_hbm,
                pk_v, sidx_v, didx_v, rows_v, tab_sh, agg_sh, gsem, ssem):
    c = lax.axis_index("c")
    s = lax.axis_index("s")
    pltpu.sync_copy(
        zeros_hbm.at[pl.ds(s * ROWS_PT, ROWS_PT)],
        agg_sh.at[pl.ds(s * ROWS_PT, ROWS_PT)],
    )
    pltpu.sync_copy(
        hp2_hbm.at[c, pl.ds(s * ROWS_PT, ROWS_PT)],
        tab_sh.at[pl.ds(s * ROWS_PT, ROWS_PT)],
    )
    pltpu.sync_copy(pk_hbm.at[pl.ds(s * NCHUNK, NCHUNK)], pk_v)
    plsc.subcore_barrier()

    def unpack(j, slot):
        for k in range(B // L):
            v = pk_v[j, pl.ds(k * L, L)]
            sidx_v[slot, pl.ds(k * L, L)] = v & (PACK - 1)
            didx_v[slot, pl.ds(k * L, L)] = v >> 14

    for b in range(NBUF):
        unpack(b, b)
        pltpu.async_copy(tab_sh.at[sidx_v.at[b]], rows_v.at[b], gsem.at[b])

    def group(g, carry):
        base = g * NBUF
        for b in range(NBUF):
            pltpu.make_async_copy(
                tab_sh.at[sidx_v.at[b]], rows_v.at[b], gsem.at[b]
            ).wait()
            pltpu.async_copy(
                rows_v.at[b], agg_sh.at[didx_v.at[b]], ssem.at[b], add=True
            )
        for b in range(NBUF):
            pltpu.make_async_copy(
                rows_v.at[b], agg_sh.at[didx_v.at[b]], ssem.at[b]
            ).wait()
            nxt = jnp.minimum(base + NBUF + b, NCHUNK - 1)

            @pl.when(g + 1 < NGRP)
            def _():
                unpack(nxt, b)
                pltpu.async_copy(tab_sh.at[sidx_v.at[b]], rows_v.at[b], gsem.at[b])

        return carry

    lax.fori_loop(0, NGRP, group, 0)
    plsc.subcore_barrier()
    pltpu.sync_copy(
        agg_sh.at[pl.ds(s * ROWS_PT, ROWS_PT)],
        out_hbm.at[c, pl.ds(s * ROWS_PT, ROWS_PT)],
    )


def _mm_body(x_ref, w_ref, h_ref):
    h_ref[...] = jnp.dot(x_ref[...], w_ref[...], preferred_element_type=jnp.float32)


_mm = pl.pallas_call(
    _mm_body,
    out_shape=jax.ShapeDtypeStruct((N, D), jnp.float32),
)


RBS = 1000


def _scale_body(h_ref, degT_ref, hp2_ref, dinv_ref):
    deg = degT_ref[:, 0:1] + degT_ref[:, 1:2] + 1.0
    dinv = lax.rsqrt(deg)
    hp = h_ref[...] * dinv
    hp2_ref[0] = hp[:, :DH]
    hp2_ref[1] = hp[:, DH:]
    dinv_ref[...] = dinv


_scale = pl.pallas_call(
    _scale_body,
    grid=(N // RBS,),
    in_specs=[
        pl.BlockSpec((RBS, D), lambda i: (i, 0)),
        pl.BlockSpec((RBS, 2), lambda i: (i, 0)),
    ],
    out_specs=(
        pl.BlockSpec((NC, RBS, DH), lambda i: (0, i, 0)),
        pl.BlockSpec((RBS, 1), lambda i: (i, 0)),
    ),
    out_shape=(
        jax.ShapeDtypeStruct((NC, N_PAD, DH), jnp.float32),
        jax.ShapeDtypeStruct((N, 1), jnp.float32),
    ),
)

RB = 1000


def _epilogue_body(sp_ref, h_ref, dinv_ref, x_ref, b_ref, g_ref, be_ref, out_ref):
    ssum = jnp.concatenate([sp_ref[0], sp_ref[1]], axis=-1)
    dinv = dinv_ref[...]
    agg = (ssum + h_ref[...] * dinv) * dinv + b_ref[...]
    mu = jnp.mean(agg, axis=-1, keepdims=True)
    cen = agg - mu
    var = jnp.mean(cen * cen, axis=-1, keepdims=True)
    ln = cen * lax.rsqrt(var + 1e-5) * g_ref[...] + be_ref[...]
    o = ln + x_ref[...]
    out_ref[...] = o * (1.0 / (1.0 + jnp.exp(-o)))


_epilogue = pl.pallas_call(
    _epilogue_body,
    grid=(N // RB,),
    in_specs=[
        pl.BlockSpec((NC, RB, DH), lambda i: (0, i, 0)),
        pl.BlockSpec((RB, D), lambda i: (i, 0)),
        pl.BlockSpec((RB, 1), lambda i: (i, 0)),
        pl.BlockSpec((RB, D), lambda i: (i, 0)),
        pl.BlockSpec((1, D), lambda i: (0, 0)),
        pl.BlockSpec((1, D), lambda i: (0, 0)),
        pl.BlockSpec((1, D), lambda i: (0, 0)),
    ],
    out_specs=pl.BlockSpec((RB, D), lambda i: (i, 0)),
    out_shape=jax.ShapeDtypeStruct((N, D), jnp.float32),
)


def kernel(x, edge_index, W, b, gamma, beta):
    npad = E_PAD - E
    src_pad = jnp.concatenate([edge_index[0], jnp.zeros((npad,), jnp.int32)])
    dst_fill = N + (jnp.arange(npad, dtype=jnp.int32) % (N_PAD - N))
    dst_pad = jnp.concatenate([edge_index[1], dst_fill])
    pk2d = (src_pad + dst_pad * PACK).reshape(CHP, B)
    dst2d = dst_pad.reshape(CHP, B)
    ones_row = jnp.ones((B,), jnp.float32)
    zeros1 = jnp.zeros((N_PAD,), jnp.float32)
    zeros2 = jnp.zeros((N_PAD, DH), jnp.float32)

    h = _mm(x, W)
    degp = _sc_degree(dst2d, ones_row, zeros1)
    degT = jnp.transpose(degp.reshape(NC, N_PAD))[:N]
    hp2, dinv = _scale(h, degT)
    sp = _sc_scatter(hp2, pk2d, zeros2)
    return _epilogue(
        sp, h, dinv, x,
        b.reshape(1, D), gamma.reshape(1, D), beta.reshape(1, D),
    )

# --- scband reference (transcript-rebuilt; emitter-appended) ---
"""Pipeline reference for scband-residual-gcnblock-83915071030244 (READ-ONLY COPY).

The authoritative reference and input builder live on the scoring server;
editing this copy changes nothing except your own understanding.
"""

import jax, jax.numpy as jnp
import numpy as np

N = 10000
E = 320000
D = 128


def setup_inputs(seed: int = 0) -> dict:
    key = jax.random.key(seed)
    k1, k2, k3 = jax.random.split(key, 3)
    x = jax.random.normal(k1, (N, D), dtype=jnp.float32)
    edge_index = jax.random.randint(k2, (2, E), 0, N, dtype=jnp.int32)
    W = jax.random.normal(k3, (D, D), dtype=jnp.float32) * (1.0 / np.sqrt(D))
    b = jnp.zeros((D,), jnp.float32)
    gamma = jnp.ones((D,), jnp.float32)
    beta = jnp.zeros((D,), jnp.float32)
    return {"x": x, "edge_index": edge_index, "W": W, "b": b, "gamma": gamma, "beta": beta}


def reference(x, edge_index, W, b, gamma, beta):
    n = x.shape[0]
    # GCNConv with added self-loops and symmetric normalization (PyG semantics)
    loop = jnp.arange(n, dtype=edge_index.dtype)
    src = jnp.concatenate([edge_index[0], loop])
    dst = jnp.concatenate([edge_index[1], loop])
    deg = jnp.zeros((n,), x.dtype).at[dst].add(1.0)
    dinv = jax.lax.rsqrt(jnp.clip(deg, 1.0, None))
    norm = dinv[src] * dinv[dst]
    h = x @ W
    msg = jnp.take(h, src, axis=0) * norm[:, None]
    agg = jnp.zeros((n, h.shape[1]), x.dtype).at[dst].add(msg) + b
    # LayerNorm
    mu = jnp.mean(agg, axis=-1, keepdims=True)
    var = jnp.var(agg, axis=-1, keepdims=True)
    ln = (agg - mu) * jax.lax.rsqrt(var + 1e-5) * gamma + beta
    # residual_proj is Identity since in_channels == out_channels
    out = ln + x
    # SiLU activation
    return out * jax.nn.sigmoid(out)

if __name__ == "__main__":
    import jax
    _d = setup_inputs()
    print(jax.jit(kernel)(*tuple(_d.values())))

</pallas_src>

<mosaic_0001>
#map = affine_map<(d0, d1) -> (0, 0)>
#map1 = affine_map<(d0, d1) -> (0)>
#map2 = affine_map<(d0, d1) -> (0, 0, 0)>
module attributes {stable_mosaic.version = 14 : i64} {
  func.func @_sc_degree(%arg0: i32, %arg1: i32, %arg2: memref<2560x128xi32, #tpu.memory_space<hbm>>, %arg3: memref<128xf32, #tpu.memory_space<hbm>>, %arg4: memref<10240xf32, #tpu.memory_space<hbm>>, %arg5: memref<2x1x10240xf32, #tpu.memory_space<hbm>>, %arg6: memref<80x128xi32, #tpu.memory_space<vmem>>, %arg7: memref<128xf32, #tpu.memory_space<vmem>>, %arg8: memref<10240xf32, #tpu.memory_space<vmem_shared>>, %arg9: memref<!tpu.dma_semaphore, #tpu.memory_space<semaphore_mem>>) attributes {dimension_semantics = [#tpu.dimension_semantics<core_parallel>, #tpu.dimension_semantics<subcore_parallel>], iteration_bounds = array<i64: 2, 16>, scalar_prefetch = 0 : i64, scratch_operands = 4 : i64, tpu.core_type = #tpu.core_type<sc_vector_subcore>, window_params = [{transform_indices = #map}, {transform_indices = #map1}, {transform_indices = #map1}, {transform_indices = #map2}]} {
    %mul3A = arith.constant 16 : i32
    %mul3A_0 = arith.muli %arg0, %mul3A : i32
    %add3A = arith.addi %mul3A_0, %arg1 : i32
    %mul3A_1 = arith.constant 640 : i32
    %mul3A_2 = arith.muli %arg1, %mul3A_1 : i32
    %mul3A_3 = arith.constant 640 : i32
    %mul3A_4 = arith.muli %arg1, %mul3A_3 : i32
    "tpu.region"() ({
      %run_scoped3A_23 = tpu.sem_alloc : memref<!tpu.dma_semaphore, #tpu.memory_space<semaphore_mem>>
      %dma_start3A = tpu.memref_slice %arg8[%mul3A_4] : memref<10240xf32, #tpu.memory_space<vmem_shared>> -> memref<640xf32, #tpu.memory_space<vmem_shared>>
      %dma_start3A_24 = tpu.memref_slice %arg4[%mul3A_2] : memref<10240xf32, #tpu.memory_space<hbm>> -> memref<640xf32, #tpu.memory_space<hbm>>
      tpu.enqueue_dma source(%dma_start3A_24 : memref<640xf32, #tpu.memory_space<hbm>>) target(%dma_start3A : memref<640xf32, #tpu.memory_space<vmem_shared>>) target_semaphore(%run_scoped3A_23 : memref<!tpu.dma_semaphore, #tpu.memory_space<semaphore_mem>>)
      %dma_wait3A = tpu.memref_slice %arg8[%mul3A_4] : memref<10240xf32, #tpu.memory_space<vmem_shared>> -> memref<640xf32, #tpu.memory_space<vmem_shared>>
      %dma_wait3A_25 = tpu.memref_slice %arg4[%mul3A_2] : memref<10240xf32, #tpu.memory_space<hbm>> -> memref<640xf32, #tpu.memory_space<hbm>>
      tpu.wait_dma2 semaphore(%run_scoped3A_23 : memref<!tpu.dma_semaphore, #tpu.memory_space<semaphore_mem>>) src(%dma_wait3A_25 : memref<640xf32, #tpu.memory_space<hbm>>) dst(%dma_wait3A : memref<640xf32, #tpu.memory_space<vmem_shared>>)
      tpu.yield
    }) : () -> ()
    %mul3A_5 = arith.constant 80 : i32
    %mul3A_6 = arith.muli %add3A, %mul3A_5 : i32
    "tpu.region"() ({
      %run_scoped3A_23 = tpu.sem_alloc : memref<!tpu.dma_semaphore, #tpu.memory_space<semaphore_mem>>
      %dma_start3A = arith.constant 0 : i32
      %dma_start3A_24 = tpu.memref_slice %arg2[%mul3A_6, %dma_start3A] : memref<2560x128xi32, #tpu.memory_space<hbm>> -> memref<80x128xi32, #tpu.memory_space<hbm>>
      %dma_start3A_25 = arith.constant 0 : i32
      %dma_start3A_26 = tpu.memref_slice %arg2[%mul3A_6, %dma_start3A_25] : memref<2560x128xi32, #tpu.memory_space<hbm>> -> memref<80x128xi32, #tpu.memory_space<hbm>>
      tpu.enqueue_dma source(%dma_start3A_26 : memref<80x128xi32, #tpu.memory_space<hbm>>) target(%arg6 : memref<80x128xi32, #tpu.memory_space<vmem>>) target_semaphore(%run_scoped3A_23 : memref<!tpu.dma_semaphore, #tpu.memory_space<semaphore_mem>>)
      %dma_wait3A = arith.constant 0 : i32
      %dma_wait3A_27 = tpu.memref_slice %arg2[%mul3A_6, %dma_wait3A] : memref<2560x128xi32, #tpu.memory_space<hbm>> -> memref<80x128xi32, #tpu.memory_space<hbm>>
      %dma_wait3A_28 = arith.constant 0 : i32
      %dma_wait3A_29 = tpu.memref_slice %arg2[%mul3A_6, %dma_wait3A_28] : memref<2560x128xi32, #tpu.memory_space<hbm>> -> memref<80x128xi32, #tpu.memory_space<hbm>>
      tpu.wait_dma2 semaphore(%run_scoped3A_23 : memref<!tpu.dma_semaphore, #tpu.memory_space<semaphore_mem>>) src(%dma_wait3A_29 : memref<80x128xi32, #tpu.memory_space<hbm>>) dst(%arg6 : memref<80x128xi32, #tpu.memory_space<vmem>>)
      tpu.yield
    }) : () -> ()
    "tpu.region"() ({
      %run_scoped3A_23 = tpu.sem_alloc : memref<!tpu.dma_semaphore, #tpu.memory_space<semaphore_mem>>
      tpu.enqueue_dma source(%arg3 : memref<128xf32, #tpu.memory_space<hbm>>) target(%arg7 : memref<128xf32, #tpu.memory_space<vmem>>) target_semaphore(%run_scoped3A_23 : memref<!tpu.dma_semaphore, #tpu.memory_space<semaphore_mem>>)
      tpu.wait_dma2 semaphore(%run_scoped3A_23 : memref<!tpu.dma_semaphore, #tpu.memory_space<semaphore_mem>>) src(%arg3 : memref<128xf32, #tpu.memory_space<hbm>>) dst(%arg7 : memref<128xf32, #tpu.memory_space<vmem>>)
      tpu.yield
    }) : () -> ()
    %barrier3A = arith.constant 0 : index
    tpu.barrier barrier_id(%barrier3A)
    %scan3A = arith.constant 0 : i32
    %scan3A_7 = arith.constant 0 : i32
    %scan3A_8 = arith.constant 80 : i32
    %scan3A_9 = arith.addi %scan3A_7, %scan3A_8 : i32
    %scan3A_10 = arith.constant 1 : i32
    scf.for %scan3A_23 = %scan3A_7 to %scan3A_9 step %scan3A_10  : i32 {
      %dma_start3A = arith.constant 0 : i32
      %dma_start3A_24 = tpu.memref_slice %arg6[%scan3A_23, %dma_start3A] : memref<80x128xi32, #tpu.memory_space<vmem>> -> memref<1x128xi32, #tpu.memory_space<vmem>>
      %dma_start3A_25 = tpu.memref_squeeze %dma_start3A_24 : memref<1x128xi32, #tpu.memory_space<vmem>> -> memref<128xi32, #tpu.memory_space<vmem>>
      %dma_start3A_26 = arith.constant 0 : i32
      %dma_start3A_27 = tpu.memref_slice %arg8[%dma_start3A_26] : memref<10240xf32, #tpu.memory_space<vmem_shared>> -> memref<10240xf32, #tpu.memory_space<vmem_shared>>
      tpu.enqueue_indirect_dma source(%arg7 : memref<128xf32, #tpu.memory_space<vmem>>) target(%dma_start3A_27 : memref<10240xf32, #tpu.memory_space<vmem_shared>>) offsets(%dma_start3A_25 : memref<128xi32, #tpu.memory_space<vmem>>) semaphore(%arg9 : memref<!tpu.dma_semaphore, #tpu.memory_space<semaphore_mem>>) {add = true}
    }
    %scan3A_11 = arith.constant 80 : i32
    %scan3A_12 = arith.constant 0 : i32
    %scan3A_13 = arith.constant 0 : i32
    %scan3A_14 = arith.constant 80 : i32
    %scan3A_15 = arith.addi %scan3A_13, %scan3A_14 : i32
    %scan3A_16 = arith.constant 1 : i32
    scf.for %scan3A_23 = %scan3A_13 to %scan3A_15 step %scan3A_16  : i32 {
      %dma_wait3A = arith.constant 0 : i32
      %dma_wait3A_24 = tpu.memref_slice %arg6[%scan3A_23, %dma_wait3A] : memref<80x128xi32, #tpu.memory_space<vmem>> -> memref<1x128xi32, #tpu.memory_space<vmem>>
      %dma_wait3A_25 = tpu.memref_squeeze %dma_wait3A_24 : memref<1x128xi32, #tpu.memory_space<vmem>> -> memref<128xi32, #tpu.memory_space<vmem>>
      %dma_wait3A_26 = arith.constant 0 : i32
      %dma_wait3A_27 = tpu.memref_slice %arg8[%dma_wait3A_26] : memref<10240xf32, #tpu.memory_space<vmem_shared>> -> memref<10240xf32, #tpu.memory_space<vmem_shared>>
      tpu.wait_indirect_dma semaphore(%arg9 : memref<!tpu.dma_semaphore, #tpu.memory_space<semaphore_mem>>) src(%arg7 : memref<128xf32, #tpu.memory_space<vmem>>) dst(%dma_wait3A_27 : memref<10240xf32, #tpu.memory_space<vmem_shared>>)
    }
    %scan3A_17 = arith.constant 80 : i32
    %barrier3A_18 = arith.constant 0 : index
    tpu.barrier barrier_id(%barrier3A_18)
    %mul3A_19 = arith.constant 640 : i32
    %mul3A_20 = arith.muli %arg1, %mul3A_19 : i32
    %mul3A_21 = arith.constant 640 : i32
    %mul3A_22 = arith.muli %arg1, %mul3A_21 : i32
    %run_scoped3A = arith.constant 0 : i32
    "tpu.region"() ({
      %run_scoped3A_23 = tpu.sem_alloc : memref<!tpu.dma_semaphore, #tpu.memory_space<semaphore_mem>>
      %dma_start3A = tpu.memref_slice %arg5[%arg0, %run_scoped3A, %mul3A_22] : memref<2x1x10240xf32, #tpu.memory_space<hbm>> -> memref<1x1x640xf32, #tpu.memory_space<hbm>>
      %dma_start3A_24 = tpu.memref_squeeze %dma_start3A : memref<1x1x640xf32, #tpu.memory_space<hbm>> -> memref<640xf32, #tpu.memory_space<hbm>>
      %dma_start3A_25 = tpu.memref_slice %arg8[%mul3A_20] : memref<10240xf32, #tpu.memory_space<vmem_shared>> -> memref<640xf32, #tpu.memory_space<vmem_shared>>
      tpu.enqueue_dma source(%dma_start3A_25 : memref<640xf32, #tpu.memory_space<vmem_shared>>) target(%dma_start3A_24 : memref<640xf32, #tpu.memory_space<hbm>>) target_semaphore(%run_scoped3A_23 : memref<!tpu.dma_semaphore, #tpu.memory_space<semaphore_mem>>)
      %dma_wait3A = tpu.memref_slice %arg5[%arg0, %run_scoped3A, %mul3A_22] : memref<2x1x10240xf32, #tpu.memory_space<hbm>> -> memref<1x1x640xf32, #tpu.memory_space<hbm>>
      %dma_wait3A_26 = tpu.memref_squeeze %dma_wait3A : memref<1x1x640xf32, #tpu.memory_space<hbm>> -> memref<640xf32, #tpu.memory_space<hbm>>
      %dma_wait3A_27 = tpu.memref_slice %arg8[%mul3A_20] : memref<10240xf32, #tpu.memory_space<vmem_shared>> -> memref<640xf32, #tpu.memory_space<vmem_shared>>
      tpu.wait_dma2 semaphore(%run_scoped3A_23 : memref<!tpu.dma_semaphore, #tpu.memory_space<semaphore_mem>>) src(%dma_wait3A_27 : memref<640xf32, #tpu.memory_space<vmem_shared>>) dst(%dma_wait3A_26 : memref<640xf32, #tpu.memory_space<hbm>>)
      tpu.yield
    }) : () -> ()
    return
  }
}

#map = affine_map<(d0, d1) -> (0, 0, 0)>
#map1 = affine_map<(d0, d1) -> (0, 0)>
module attributes {stable_mosaic.version = 14 : i64} {
  func.func @_sc_scatter(%arg0: i32, %arg1: i32, %arg2: memref<2x10240x64xf32, #tpu.memory_space<hbm>>, %arg3: memref<2560x128xi32, #tpu.memory_space<hbm>>, %arg4: memref<10240x64xf32, #tpu.memory_space<hbm>>, %arg5: memref<2x10240x64xf32, #tpu.memory_space<hbm>>, %arg6: memref<160x128xi32, #tpu.memory_space<vmem>>, %arg7: memref<2x128xi32, #tpu.memory_space<vmem>>, %arg8: memref<2x128xi32, #tpu.memory_space<vmem>>, %arg9: memref<2x128x64xf32, #tpu.memory_space<vmem>>, %arg10: memref<10240x64xf32, #tpu.memory_space<vmem_shared>>, %arg11: memref<10240x64xf32, #tpu.memory_space<vmem_shared>>, %arg12: memref<2x!tpu.dma_semaphore, #tpu.memory_space<semaphore_mem>>, %arg13: memref<2x!tpu.dma_semaphore, #tpu.memory_space<semaphore_mem>>) attributes {dimension_semantics = [#tpu.dimension_semantics<core_parallel>, #tpu.dimension_semantics<subcore_parallel>], iteration_bounds = array<i64: 2, 16>, scalar_prefetch = 0 : i64, scratch_operands = 8 : i64, tpu.core_type = #tpu.core_type<sc_vector_subcore>, window_params = [{transform_indices = #map}, {transform_indices = #map1}, {transform_indices = #map1}, {transform_indices = #map}]} {
    %mul3A = arith.constant 640 : i32
    %mul3A_0 = arith.muli %arg1, %mul3A : i32
    %mul3A_1 = arith.constant 640 : i32
    %mul3A_2 = arith.muli %arg1, %mul3A_1 : i32
    "tpu.region"() ({
      %run_scoped3A = tpu.sem_alloc : memref<!tpu.dma_semaphore, #tpu.memory_space<semaphore_mem>>
      %dma_start3A_412 = arith.constant 0 : i32
      %dma_start3A_413 = tpu.memref_slice %arg11[%mul3A_2, %dma_start3A_412] : memref<10240x64xf32, #tpu.memory_space<vmem_shared>> -> memref<640x64xf32, #tpu.memory_space<vmem_shared>>
      %dma_start3A_414 = arith.constant 0 : i32
      %dma_start3A_415 = tpu.memref_slice %arg4[%mul3A_0, %dma_start3A_414] : memref<10240x64xf32, #tpu.memory_space<hbm>> -> memref<640x64xf32, #tpu.memory_space<hbm>>
      tpu.enqueue_dma source(%dma_start3A_415 : memref<640x64xf32, #tpu.memory_space<hbm>>) target(%dma_start3A_413 : memref<640x64xf32, #tpu.memory_space<vmem_shared>>) target_semaphore(%run_scoped3A : memref<!tpu.dma_semaphore, #tpu.memory_space<semaphore_mem>>)
      %dma_wait3A = arith.constant 0 : i32
      %dma_wait3A_416 = tpu.memref_slice %arg11[%mul3A_2, %dma_wait3A] : memref<10240x64xf32, #tpu.memory_space<vmem_shared>> -> memref<640x64xf32, #tpu.memory_space<vmem_shared>>
      %dma_wait3A_417 = arith.constant 0 : i32
      %dma_wait3A_418 = tpu.memref_slice %arg4[%mul3A_0, %dma_wait3A_417] : memref<10240x64xf32, #tpu.memory_space<hbm>> -> memref<640x64xf32, #tpu.memory_space<hbm>>
      tpu.wait_dma2 semaphore(%run_scoped3A : memref<!tpu.dma_semaphore, #tpu.memory_space<semaphore_mem>>) src(%dma_wait3A_418 : memref<640x64xf32, #tpu.memory_space<hbm>>) dst(%dma_wait3A_416 : memref<640x64xf32, #tpu.memory_space<vmem_shared>>)
      tpu.yield
    }) : () -> ()
    %mul3A_3 = arith.constant 640 : i32
    %mul3A_4 = arith.muli %arg1, %mul3A_3 : i32
    %mul3A_5 = arith.constant 640 : i32
    %mul3A_6 = arith.muli %arg1, %mul3A_5 : i32
    "tpu.region"() ({
      %run_scoped3A = tpu.sem_alloc : memref<!tpu.dma_semaphore, #tpu.memory_space<semaphore_mem>>
      %dma_start3A_412 = arith.constant 0 : i32
      %dma_start3A_413 = tpu.memref_slice %arg10[%mul3A_6, %dma_start3A_412] : memref<10240x64xf32, #tpu.memory_space<vmem_shared>> -> memref<640x64xf32, #tpu.memory_space<vmem_shared>>
      %dma_start3A_414 = arith.constant 0 : i32
      %dma_start3A_415 = tpu.memref_slice %arg2[%arg0, %mul3A_4, %dma_start3A_414] : memref<2x10240x64xf32, #tpu.memory_space<hbm>> -> memref<1x640x64xf32, #tpu.memory_space<hbm>>
      %dma_start3A_416 = tpu.memref_squeeze %dma_start3A_415 : memref<1x640x64xf32, #tpu.memory_space<hbm>> -> memref<640x64xf32, #tpu.memory_space<hbm>>
      tpu.enqueue_dma source(%dma_start3A_416 : memref<640x64xf32, #tpu.memory_space<hbm>>) target(%dma_start3A_413 : memref<640x64xf32, #tpu.memory_space<vmem_shared>>) target_semaphore(%run_scoped3A : memref<!tpu.dma_semaphore, #tpu.memory_space<semaphore_mem>>)
      %dma_wait3A = arith.constant 0 : i32
      %dma_wait3A_417 = tpu.memref_slice %arg10[%mul3A_6, %dma_wait3A] : memref<10240x64xf32, #tpu.memory_space<vmem_shared>> -> memref<640x64xf32, #tpu.memory_space<vmem_shared>>
      %dma_wait3A_418 = arith.constant 0 : i32
      %dma_wait3A_419 = tpu.memref_slice %arg2[%arg0, %mul3A_4, %dma_wait3A_418] : memref<2x10240x64xf32, #tpu.memory_space<hbm>> -> memref<1x640x64xf32, #tpu.memory_space<hbm>>
      %dma_wait3A_420 = tpu.memref_squeeze %dma_wait3A_419 : memref<1x640x64xf32, #tpu.memory_space<hbm>> -> memref<640x64xf32, #tpu.memory_space<hbm>>
      tpu.wait_dma2 semaphore(%run_scoped3A : memref<!tpu.dma_semaphore, #tpu.memory_space<semaphore_mem>>) src(%dma_wait3A_420 : memref<640x64xf32, #tpu.memory_space<hbm>>) dst(%dma_wait3A_417 : memref<640x64xf32, #tpu.memory_space<vmem_shared>>)
      tpu.yield
    }) : () -> ()
    %mul3A_7 = arith.constant 160 : i32
    %mul3A_8 = arith.muli %arg1, %mul3A_7 : i32
    "tpu.region"() ({
      %run_scoped3A = tpu.sem_alloc : memref<!tpu.dma_semaphore, #tpu.memory_space<semaphore_mem>>
      %dma_start3A_412 = arith.constant 0 : i32
      %dma_start3A_413 = tpu.memref_slice %arg3[%mul3A_8, %dma_start3A_412] : memref<2560x128xi32, #tpu.memory_space<hbm>> -> memref<160x128xi32, #tpu.memory_space<hbm>>
      %dma_start3A_414 = arith.constant 0 : i32
      %dma_start3A_415 = tpu.memref_slice %arg3[%mul3A_8, %dma_start3A_414] : memref<2560x128xi32, #tpu.memory_space<hbm>> -> memref<160x128xi32, #tpu.memory_space<hbm>>
      tpu.enqueue_dma source(%dma_start3A_415 : memref<160x128xi32, #tpu.memory_space<hbm>>) target(%arg6 : memref<160x128xi32, #tpu.memory_space<vmem>>) target_semaphore(%run_scoped3A : memref<!tpu.dma_semaphore, #tpu.memory_space<semaphore_mem>>)
      %dma_wait3A = arith.constant 0 : i32
      %dma_wait3A_416 = tpu.memref_slice %arg3[%mul3A_8, %dma_wait3A] : memref<2560x128xi32, #tpu.memory_space<hbm>> -> memref<160x128xi32, #tpu.memory_space<hbm>>
      %dma_wait3A_417 = arith.constant 0 : i32
      %dma_wait3A_418 = tpu.memref_slice %arg3[%mul3A_8, %dma_wait3A_417] : memref<2560x128xi32, #tpu.memory_space<hbm>> -> memref<160x128xi32, #tpu.memory_space<hbm>>
      tpu.wait_dma2 semaphore(%run_scoped3A : memref<!tpu.dma_semaphore, #tpu.memory_space<semaphore_mem>>) src(%dma_wait3A_418 : memref<160x128xi32, #tpu.memory_space<hbm>>) dst(%arg6 : memref<160x128xi32, #tpu.memory_space<vmem>>)
      tpu.yield
    }) : () -> ()
    %barrier3A = arith.constant 0 : index
    tpu.barrier barrier_id(%barrier3A)
    %get3A = arith.constant 0 : i32
    %get3A_9 = arith.index_cast %get3A : i32 to index
    %get3A_10 = arith.constant 0 : index
    %get3A_11 = tpu.vector_load %arg6[%get3A_9, %get3A_10] {strides = array<i32>} : memref<160x128xi32, #tpu.memory_space<vmem>>, vector<1x16xi32>,
    %get3A_12 = vector.shape_cast %get3A_11 : vector<1x16xi32> to vector<16xi32>
    %and3A = arith.constant 16383 : i32
    %and3A_13 = vector.broadcast %and3A : i32 to vector<16xi32>
    %and3A_14 = arith.andi %get3A_12, %and3A_13 : vector<16xi32>
    %swap3A = arith.constant 0 : i32
    %swap3A_15 = arith.index_cast %swap3A : i32 to index
    %swap3A_16 = arith.constant 0 : index
    %swap3A_17 = tpu.vector_load %arg7[%swap3A_15, %swap3A_16] {strides = array<i32>} : memref<2x128xi32, #tpu.memory_space<vmem>>, vector<1x16xi32>,
    %swap3A_18 = vector.shape_cast %swap3A_17 : vector<1x16xi32> to vector<16xi32>
    %swap3A_19 = vector.shape_cast %and3A_14 : vector<16xi32> to vector<1x16xi32>
    tpu.vector_store %arg7[%swap3A_15, %swap3A_16], %swap3A_19 {strides = array<i32>} : memref<2x128xi32, #tpu.memory_space<vmem>>, vector<1x16xi32>,
    %shift_right_arithmetic3A = arith.constant 14 : i32
    %shift_right_arithmetic3A_20 = vector.broadcast %shift_right_arithmetic3A : i32 to vector<16xi32>
    %shift_right_arithmetic3A_21 = arith.shrsi %get3A_12, %shift_right_arithmetic3A_20 : vector<16xi32>
    %swap3A_22 = arith.constant 0 : i32
    %swap3A_23 = arith.index_cast %swap3A_22 : i32 to index
    %swap3A_24 = arith.constant 0 : index
    %swap3A_25 = tpu.vector_load %arg8[%swap3A_23, %swap3A_24] {strides = array<i32>} : memref<2x128xi32, #tpu.memory_space<vmem>>, vector<1x16xi32>,
    %swap3A_26 = vector.shape_cast %swap3A_25 : vector<1x16xi32> to vector<16xi32>
    %swap3A_27 = vector.shape_cast %shift_right_arithmetic3A_21 : vector<16xi32> to vector<1x16xi32>
    tpu.vector_store %arg8[%swap3A_23, %swap3A_24], %swap3A_27 {strides = array<i32>} : memref<2x128xi32, #tpu.memory_space<vmem>>, vector<1x16xi32>,
    %get3A_28 = arith.constant 0 : i32
    %get3A_29 = arith.index_cast %get3A_28 : i32 to index
    %get3A_30 = arith.constant 16 : index
    %get3A_31 = tpu.vector_load %arg6[%get3A_29, %get3A_30] {strides = array<i32>} : memref<160x128xi32, #tpu.memory_space<vmem>>, vector<1x16xi32>,
    %get3A_32 = vector.shape_cast %get3A_31 : vector<1x16xi32> to vector<16xi32>
    %and3A_33 = arith.constant 16383 : i32
    %and3A_34 = vector.broadcast %and3A_33 : i32 to vector<16xi32>
    %and3A_35 = arith.andi %get3A_32, %and3A_34 : vector<16xi32>
    %swap3A_36 = arith.constant 0 : i32
    %swap3A_37 = arith.index_cast %swap3A_36 : i32 to index
    %swap3A_38 = arith.constant 16 : index
    %swap3A_39 = tpu.vector_load %arg7[%swap3A_37, %swap3A_38] {strides = array<i32>} : memref<2x128xi32, #tpu.memory_space<vmem>>, vector<1x16xi32>,
    %swap3A_40 = vector.shape_cast %swap3A_39 : vector<1x16xi32> to vector<16xi32>
    %swap3A_41 = vector.shape_cast %and3A_35 : vector<16xi32> to vector<1x16xi32>
    tpu.vector_store %arg7[%swap3A_37, %swap3A_38], %swap3A_41 {strides = array<i32>} : memref<2x128xi32, #tpu.memory_space<vmem>>, vector<1x16xi32>,
    %shift_right_arithmetic3A_42 = arith.constant 14 : i32
    %shift_right_arithmetic3A_43 = vector.broadcast %shift_right_arithmetic3A_42 : i32 to vector<16xi32>
    %shift_right_arithmetic3A_44 = arith.shrsi %get3A_32, %shift_right_arithmetic3A_43 : vector<16xi32>
    %swap3A_45 = arith.constant 0 : i32
    %swap3A_46 = arith.index_cast %swap3A_45 : i32 to index
    %swap3A_47 = arith.constant 16 : index
    %swap3A_48 = tpu.vector_load %arg8[%swap3A_46, %swap3A_47] {strides = array<i32>} : memref<2x128xi32, #tpu.memory_space<vmem>>, vector<1x16xi32>,
    %swap3A_49 = vector.shape_cast %swap3A_48 : vector<1x16xi32> to vector<16xi32>
    %swap3A_50 = vector.shape_cast %shift_right_arithmetic3A_44 : vector<16xi32> to vector<1x16xi32>
    tpu.vector_store %arg8[%swap3A_46, %swap3A_47], %swap3A_50 {strides = array<i32>} : memref<2x128xi32, #tpu.memory_space<vmem>>, vector<1x16xi32>,
    %get3A_51 = arith.constant 0 : i32
    %get3A_52 = arith.index_cast %get3A_51 : i32 to index
    %get3A_53 = arith.constant 32 : index
    %get3A_54 = tpu.vector_load %arg6[%get3A_52, %get3A_53] {strides = array<i32>} : memref<160x128xi32, #tpu.memory_space<vmem>>, vector<1x16xi32>,
    %get3A_55 = vector.shape_cast %get3A_54 : vector<1x16xi32> to vector<16xi32>
    %and3A_56 = arith.constant 16383 : i32
    %and3A_57 = vector.broadcast %and3A_56 : i32 to vector<16xi32>
    %and3A_58 = arith.andi %get3A_55, %and3A_57 : vector<16xi32>
    %swap3A_59 = arith.constant 0 : i32
    %swap3A_60 = arith.index_cast %swap3A_59 : i32 to index
    %swap3A_61 = arith.constant 32 : index
    %swap3A_62 = tpu.vector_load %arg7[%swap3A_60, %swap3A_61] {strides = array<i32>} : memref<2x128xi32, #tpu.memory_space<vmem>>, vector<1x16xi32>,
    %swap3A_63 = vector.shape_cast %swap3A_62 : vector<1x16xi32> to vector<16xi32>
    %swap3A_64 = vector.shape_cast %and3A_58 : vector<16xi32> to vector<1x16xi32>
    tpu.vector_store %arg7[%swap3A_60, %swap3A_61], %swap3A_64 {strides = array<i32>} : memref<2x128xi32, #tpu.memory_space<vmem>>, vector<1x16xi32>,
    %shift_right_arithmetic3A_65 = arith.constant 14 : i32
    %shift_right_arithmetic3A_66 = vector.broadcast %shift_right_arithmetic3A_65 : i32 to vector<16xi32>
    %shift_right_arithmetic3A_67 = arith.shrsi %get3A_55, %shift_right_arithmetic3A_66 : vector<16xi32>
    %swap3A_68 = arith.constant 0 : i32
    %swap3A_69 = arith.index_cast %swap3A_68 : i32 to index
    %swap3A_70 = arith.constant 32 : index
    %swap3A_71 = tpu.vector_load %arg8[%swap3A_69, %swap3A_70] {strides = array<i32>} : memref<2x128xi32, #tpu.memory_space<vmem>>, vector<1x16xi32>,
    %swap3A_72 = vector.shape_cast %swap3A_71 : vector<1x16xi32> to vector<16xi32>
    %swap3A_73 = vector.shape_cast %shift_right_arithmetic3A_67 : vector<16xi32> to vector<1x16xi32>
    tpu.vector_store %arg8[%swap3A_69, %swap3A_70], %swap3A_73 {strides = array<i32>} : memref<2x128xi32, #tpu.memory_space<vmem>>, vector<1x16xi32>,
    %get3A_74 = arith.constant 0 : i32
    %get3A_75 = arith.index_cast %get3A_74 : i32 to index
    %get3A_76 = arith.constant 48 : index
    %get3A_77 = tpu.vector_load %arg6[%get3A_75, %get3A_76] {strides = array<i32>} : memref<160x128xi32, #tpu.memory_space<vmem>>, vector<1x16xi32>,
    %get3A_78 = vector.shape_cast %get3A_77 : vector<1x16xi32> to vector<16xi32>
    %and3A_79 = arith.constant 16383 : i32
    %and3A_80 = vector.broadcast %and3A_79 : i32 to vector<16xi32>
    %and3A_81 = arith.andi %get3A_78, %and3A_80 : vector<16xi32>
    %swap3A_82 = arith.constant 0 : i32
    %swap3A_83 = arith.index_cast %swap3A_82 : i32 to index
    %swap3A_84 = arith.constant 48 : index
    %swap3A_85 = tpu.vector_load %arg7[%swap3A_83, %swap3A_84] {strides = array<i32>} : memref<2x128xi32, #tpu.memory_space<vmem>>, vector<1x16xi32>,
    %swap3A_86 = vector.shape_cast %swap3A_85 : vector<1x16xi32> to vector<16xi32>
    %swap3A_87 = vector.shape_cast %and3A_81 : vector<16xi32> to vector<1x16xi32>
    tpu.vector_store %arg7[%swap3A_83, %swap3A_84], %swap3A_87 {strides = array<i32>} : memref<2x128xi32, #tpu.memory_space<vmem>>, vector<1x16xi32>,
    %shift_right_arithmetic3A_88 = arith.constant 14 : i32
    %shift_right_arithmetic3A_89 = vector.broadcast %shift_right_arithmetic3A_88 : i32 to vector<16xi32>
    %shift_right_arithmetic3A_90 = arith.shrsi %get3A_78, %shift_right_arithmetic3A_89 : vector<16xi32>
    %swap3A_91 = arith.constant 0 : i32
    %swap3A_92 = arith.index_cast %swap3A_91 : i32 to index
    %swap3A_93 = arith.constant 48 : index
    %swap3A_94 = tpu.vector_load %arg8[%swap3A_92, %swap3A_93] {strides = array<i32>} : memref<2x128xi32, #tpu.memory_space<vmem>>, vector<1x16xi32>,
    %swap3A_95 = vector.shape_cast %swap3A_94 : vector<1x16xi32> to vector<16xi32>
    %swap3A_96 = vector.shape_cast %shift_right_arithmetic3A_90 : vector<16xi32> to vector<1x16xi32>
    tpu.vector_store %arg8[%swap3A_92, %swap3A_93], %swap3A_96 {strides = array<i32>} : memref<2x128xi32, #tpu.memory_space<vmem>>, vector<1x16xi32>,
    %get3A_97 = arith.constant 0 : i32
    %get3A_98 = arith.index_cast %get3A_97 : i32 to index
    %get3A_99 = arith.constant 64 : index
    %get3A_100 = tpu.vector_load %arg6[%get3A_98, %get3A_99] {strides = array<i32>} : memref<160x128xi32, #tpu.memory_space<vmem>>, vector<1x16xi32>,
    %get3A_101 = vector.shape_cast %get3A_100 : vector<1x16xi32> to vector<16xi32>
    %and3A_102 = arith.constant 16383 : i32
    %and3A_103 = vector.broadcast %and3A_102 : i32 to vector<16xi32>
    %and3A_104 = arith.andi %get3A_101, %and3A_103 : vector<16xi32>
    %swap3A_105 = arith.constant 0 : i32
    %swap3A_106 = arith.index_cast %swap3A_105 : i32 to index
    %swap3A_107 = arith.constant 64 : index
    %swap3A_108 = tpu.vector_load %arg7[%swap3A_106, %swap3A_107] {strides = array<i32>} : memref<2x128xi32, #tpu.memory_space<vmem>>, vector<1x16xi32>,
    %swap3A_109 = vector.shape_cast %swap3A_108 : vector<1x16xi32> to vector<16xi32>
    %swap3A_110 = vector.shape_cast %and3A_104 : vector<16xi32> to vector<1x16xi32>
    tpu.vector_store %arg7[%swap3A_106, %swap3A_107], %swap3A_110 {strides = array<i32>} : memref<2x128xi32, #tpu.memory_space<vmem>>, vector<1x16xi32>,
    %shift_right_arithmetic3A_111 = arith.constant 14 : i32
    %shift_right_arithmetic3A_112 = vector.broadcast %shift_right_arithmetic3A_111 : i32 to vector<16xi32>
    %shift_right_arithmetic3A_113 = arith.shrsi %get3A_101, %shift_right_arithmetic3A_112 : vector<16xi32>
    %swap3A_114 = arith.constant 0 : i32
    %swap3A_115 = arith.index_cast %swap3A_114 : i32 to index
    %swap3A_116 = arith.constant 64 : index
    %swap3A_117 = tpu.vector_load %arg8[%swap3A_115, %swap3A_116] {strides = array<i32>} : memref<2x128xi32, #tpu.memory_space<vmem>>, vector<1x16xi32>,
    %swap3A_118 = vector.shape_cast %swap3A_117 : vector<1x16xi32> to vector<16xi32>
    %swap3A_119 = vector.shape_cast %shift_right_arithmetic3A_113 : vector<16xi32> to vector<1x16xi32>
    tpu.vector_store %arg8[%swap3A_115, %swap3A_116], %swap3A_119 {strides = array<i32>} : memref<2x128xi32, #tpu.memory_space<vmem>>, vector<1x16xi32>,
    %get3A_120 = arith.constant 0 : i32
    %get3A_121 = arith.index_cast %get3A_120 : i32 to index
    %get3A_122 = arith.constant 80 : index
    %get3A_123 = tpu.vector_load %arg6[%get3A_121, %get3A_122] {strides = array<i32>} : memref<160x128xi32, #tpu.memory_space<vmem>>, vector<1x16xi32>,
    %get3A_124 = vector.shape_cast %get3A_123 : vector<1x16xi32> to vector<16xi32>
    %and3A_125 = arith.constant 16383 : i32
    %and3A_126 = vector.broadcast %and3A_125 : i32 to vector<16xi32>
    %and3A_127 = arith.andi %get3A_124, %and3A_126 : vector<16xi32>
    %swap3A_128 = arith.constant 0 : i32
    %swap3A_129 = arith.index_cast %swap3A_128 : i32 to index
    %swap3A_130 = arith.constant 80 : index
    %swap3A_131 = tpu.vector_load %arg7[%swap3A_129, %swap3A_130] {strides = array<i32>} : memref<2x128xi32, #tpu.memory_space<vmem>>, vector<1x16xi32>,
    %swap3A_132 = vector.shape_cast %swap3A_131 : vector<1x16xi32> to vector<16xi32>
    %swap3A_133 = vector.shape_cast %and3A_127 : vector<16xi32> to vector<1x16xi32>
    tpu.vector_store %arg7[%swap3A_129, %swap3A_130], %swap3A_133 {strides = array<i32>} : memref<2x128xi32, #tpu.memory_space<vmem>>, vector<1x16xi32>,
    %shift_right_arithmetic3A_134 = arith.constant 14 : i32
    %shift_right_arithmetic3A_135 = vector.broadcast %shift_right_arithmetic3A_134 : i32 to vector<16xi32>
    %shift_right_arithmetic3A_136 = arith.shrsi %get3A_124, %shift_right_arithmetic3A_135 : vector<16xi32>
    %swap3A_137 = arith.constant 0 : i32
    %swap3A_138 = arith.index_cast %swap3A_137 : i32 to index
    %swap3A_139 = arith.constant 80 : index
    %swap3A_140 = tpu.vector_load %arg8[%swap3A_138, %swap3A_139] {strides = array<i32>} : memref<2x128xi32, #tpu.memory_space<vmem>>, vector<1x16xi32>,
    %swap3A_141 = vector.shape_cast %swap3A_140 : vector<1x16xi32> to vector<16xi32>
    %swap3A_142 = vector.shape_cast %shift_right_arithmetic3A_136 : vector<16xi32> to vector<1x16xi32>
    tpu.vector_store %arg8[%swap3A_138, %swap3A_139], %swap3A_142 {strides = array<i32>} : memref<2x128xi32, #tpu.memory_space<vmem>>, vector<1x16xi32>,
    %get3A_143 = arith.constant 0 : i32
    %get3A_144 = arith.index_cast %get3A_143 : i32 to index
    %get3A_145 = arith.constant 96 : index
    %get3A_146 = tpu.vector_load %arg6[%get3A_144, %get3A_145] {strides = array<i32>} : memref<160x128xi32, #tpu.memory_space<vmem>>, vector<1x16xi32>,
    %get3A_147 = vector.shape_cast %get3A_146 : vector<1x16xi32> to vector<16xi32>
    %and3A_148 = arith.constant 16383 : i32
    %and3A_149 = vector.broadcast %and3A_148 : i32 to vector<16xi32>
    %and3A_150 = arith.andi %get3A_147, %and3A_149 : vector<16xi32>
    %swap3A_151 = arith.constant 0 : i32
    %swap3A_152 = arith.index_cast %swap3A_151 : i32 to index
    %swap3A_153 = arith.constant 96 : index
    %swap3A_154 = tpu.vector_load %arg7[%swap3A_152, %swap3A_153] {strides = array<i32>} : memref<2x128xi32, #tpu.memory_space<vmem>>, vector<1x16xi32>,
    %swap3A_155 = vector.shape_cast %swap3A_154 : vector<1x16xi32> to vector<16xi32>
    %swap3A_156 = vector.shape_cast %and3A_150 : vector<16xi32> to vector<1x16xi32>
    tpu.vector_store %arg7[%swap3A_152, %swap3A_153], %swap3A_156 {strides = array<i32>} : memref<2x128xi32, #tpu.memory_space<vmem>>, vector<1x16xi32>,
    %shift_right_arithmetic3A_157 = arith.constant 14 : i32
    %shift_right_arithmetic3A_158 = vector.broadcast %shift_right_arithmetic3A_157 : i32 to vector<16xi32>
    %shift_right_arithmetic3A_159 = arith.shrsi %get3A_147, %shift_right_arithmetic3A_158 : vector<16xi32>
    %swap3A_160 = arith.constant 0 : i32
    %swap3A_161 = arith.index_cast %swap3A_160 : i32 to index
    %swap3A_162 = arith.constant 96 : index
    %swap3A_163 = tpu.vector_load %arg8[%swap3A_161, %swap3A_162] {strides = array<i32>} : memref<2x128xi32, #tpu.memory_space<vmem>>, vector<1x16xi32>,
    %swap3A_164 = vector.shape_cast %swap3A_163 : vector<1x16xi32> to vector<16xi32>
    %swap3A_165 = vector.shape_cast %shift_right_arithmetic3A_159 : vector<16xi32> to vector<1x16xi32>
    tpu.vector_store %arg8[%swap3A_161, %swap3A_162], %swap3A_165 {strides = array<i32>} : memref<2x128xi32, #tpu.memory_space<vmem>>, vector<1x16xi32>,
    %get3A_166 = arith.constant 0 : i32
    %get3A_167 = arith.index_cast %get3A_166 : i32 to index
    %get3A_168 = arith.constant 112 : index
    %get3A_169 = tpu.vector_load %arg6[%get3A_167, %get3A_168] {strides = array<i32>} : memref<160x128xi32, #tpu.memory_space<vmem>>, vector<1x16xi32>,
    %get3A_170 = vector.shape_cast %get3A_169 : vector<1x16xi32> to vector<16xi32>
    %and3A_171 = arith.constant 16383 : i32
    %and3A_172 = vector.broadcast %and3A_171 : i32 to vector<16xi32>
    %and3A_173 = arith.andi %get3A_170, %and3A_172 : vector<16xi32>
    %swap3A_174 = arith.constant 0 : i32
    %swap3A_175 = arith.index_cast %swap3A_174 : i32 to index
    %swap3A_176 = arith.constant 112 : index
    %swap3A_177 = tpu.vector_load %arg7[%swap3A_175, %swap3A_176] {strides = array<i32>} : memref<2x128xi32, #tpu.memory_space<vmem>>, vector<1x16xi32>,
    %swap3A_178 = vector.shape_cast %swap3A_177 : vector<1x16xi32> to vector<16xi32>
    %swap3A_179 = vector.shape_cast %and3A_173 : vector<16xi32> to vector<1x16xi32>
    tpu.vector_store %arg7[%swap3A_175, %swap3A_176], %swap3A_179 {strides = array<i32>} : memref<2x128xi32, #tpu.memory_space<vmem>>, vector<1x16xi32>,
    %shift_right_arithmetic3A_180 = arith.constant 14 : i32
    %shift_right_arithmetic3A_181 = vector.broadcast %shift_right_arithmetic3A_180 : i32 to vector<16xi32>
    %shift_right_arithmetic3A_182 = arith.shrsi %get3A_170, %shift_right_arithmetic3A_181 : vector<16xi32>
    %swap3A_183 = arith.constant 0 : i32
    %swap3A_184 = arith.index_cast %swap3A_183 : i32 to index
    %swap3A_185 = arith.constant 112 : index
    %swap3A_186 = tpu.vector_load %arg8[%swap3A_184, %swap3A_185] {strides = array<i32>} : memref<2x128xi32, #tpu.memory_space<vmem>>, vector<1x16xi32>,
    %swap3A_187 = vector.shape_cast %swap3A_186 : vector<1x16xi32> to vector<16xi32>
    %swap3A_188 = vector.shape_cast %shift_right_arithmetic3A_182 : vector<16xi32> to vector<1x16xi32>
    tpu.vector_store %arg8[%swap3A_184, %swap3A_185], %swap3A_188 {strides = array<i32>} : memref<2x128xi32, #tpu.memory_space<vmem>>, vector<1x16xi32>,
    %dma_start3A = arith.constant 0 : i32
    %dma_start3A_189 = arith.constant 0 : i32
    %dma_start3A_190 = arith.constant 0 : i32
    %dma_start3A_191 = arith.constant 0 : i32
    %dma_start3A_192 = arith.constant 0 : i32
    %dma_start3A_193 = tpu.memref_slice %arg9[%dma_start3A_189, %dma_start3A_191, %dma_start3A_192] : memref<2x128x64xf32, #tpu.memory_space<vmem>> -> memref<1x128x64xf32, #tpu.memory_space<vmem>>
    %dma_start3A_194 = tpu.memref_squeeze %dma_start3A_193 : memref<1x128x64xf32, #tpu.memory_space<vmem>> -> memref<128x64xf32, #tpu.memory_space<vmem>>
    %dma_start3A_195 = arith.constant 0 : i32
    %dma_start3A_196 = tpu.memref_slice %arg7[%dma_start3A, %dma_start3A_195] : memref<2x128xi32, #tpu.memory_space<vmem>> -> memref<1x128xi32, #tpu.memory_space<vmem>>
    %dma_start3A_197 = tpu.memref_squeeze %dma_start3A_196 : memref<1x128xi32, #tpu.memory_space<vmem>> -> memref<128xi32, #tpu.memory_space<vmem>>
    %dma_start3A_198 = arith.constant 0 : i32
    %dma_start3A_199 = arith.constant 0 : i32
    %dma_start3A_200 = tpu.memref_slice %arg10[%dma_start3A_198, %dma_start3A_199] : memref<10240x64xf32, #tpu.memory_space<vmem_shared>> -> memref<10240x64xf32, #tpu.memory_space<vmem_shared>>
    %dma_start3A_201 = tpu.memref_slice %arg12[%dma_start3A_190] : memref<2x!tpu.dma_semaphore, #tpu.memory_space<semaphore_mem>> -> memref<1x!tpu.dma_semaphore, #tpu.memory_space<semaphore_mem>>
    %dma_start3A_202 = tpu.memref_squeeze %dma_start3A_201 : memref<1x!tpu.dma_semaphore, #tpu.memory_space<semaphore_mem>> -> memref<!tpu.dma_semaphore, #tpu.memory_space<semaphore_mem>>
    tpu.enqueue_indirect_dma source(%dma_start3A_200 : memref<10240x64xf32, #tpu.memory_space<vmem_shared>>) target(%dma_start3A_194 : memref<128x64xf32, #tpu.memory_space<vmem>>) offsets(%dma_start3A_197 : memref<128xi32, #tpu.memory_space<vmem>>) semaphore(%dma_start3A_202 : memref<!tpu.dma_semaphore, #tpu.memory_space<semaphore_mem>>)
    %get3A_203 = arith.constant 1 : i32
    %get3A_204 = arith.index_cast %get3A_203 : i32 to index
    %get3A_205 = arith.constant 0 : index
    %get3A_206 = tpu.vector_load %arg6[%get3A_204, %get3A_205] {strides = array<i32>} : memref<160x128xi32, #tpu.memory_space<vmem>>, vector<1x16xi32>,
    %get3A_207 = vector.shape_cast %get3A_206 : vector<1x16xi32> to vector<16xi32>
    %and3A_208 = arith.constant 16383 : i32
    %and3A_209 = vector.broadcast %and3A_208 : i32 to vector<16xi32>
    %and3A_210 = arith.andi %get3A_207, %and3A_209 : vector<16xi32>
    %swap3A_211 = arith.constant 1 : i32
    %swap3A_212 = arith.index_cast %swap3A_211 : i32 to index
    %swap3A_213 = arith.constant 0 : index
    %swap3A_214 = tpu.vector_load %arg7[%swap3A_212, %swap3A_213] {strides = array<i32>} : memref<2x128xi32, #tpu.memory_space<vmem>>, vector<1x16xi32>,
    %swap3A_215 = vector.shape_cast %swap3A_214 : vector<1x16xi32> to vector<16xi32>
    %swap3A_216 = vector.shape_cast %and3A_210 : vector<16xi32> to vector<1x16xi32>
    tpu.vector_store %arg7[%swap3A_212, %swap3A_213], %swap3A_216 {strides = array<i32>} : memref<2x128xi32, #tpu.memory_space<vmem>>, vector<1x16xi32>,
    %shift_right_arithmetic3A_217 = arith.constant 14 : i32
    %shift_right_arithmetic3A_218 = vector.broadcast %shift_right_arithmetic3A_217 : i32 to vector<16xi32>
    %shift_right_arithmetic3A_219 = arith.shrsi %get3A_207, %shift_right_arithmetic3A_218 : vector<16xi32>
    %swap3A_220 = arith.constant 1 : i32
    %swap3A_221 = arith.index_cast %swap3A_220 : i32 to index
    %swap3A_222 = arith.constant 0 : index
    %swap3A_223 = tpu.vector_load %arg8[%swap3A_221, %swap3A_222] {strides = array<i32>} : memref<2x128xi32, #tpu.memory_space<vmem>>, vector<1x16xi32>,
    %swap3A_224 = vector.shape_cast %swap3A_223 : vector<1x16xi32> to vector<16xi32>
    %swap3A_225 = vector.shape_cast %shift_right_arithmetic3A_219 : vector<16xi32> to vector<1x16xi32>
    tpu.vector_store %arg8[%swap3A_221, %swap3A_222], %swap3A_225 {strides = array<i32>} : memref<2x128xi32, #tpu.memory_space<vmem>>, vector<1x16xi32>,
    %get3A_226 = arith.constant 1 : i32
    %get3A_227 = arith.index_cast %get3A_226 : i32 to index
    %get3A_228 = arith.constant 16 : index
    %get3A_229 = tpu.vector_load %arg6[%get3A_227, %get3A_228] {strides = array<i32>} : memref<160x128xi32, #tpu.memory_space<vmem>>, vector<1x16xi32>,
    %get3A_230 = vector.shape_cast %get3A_229 : vector<1x16xi32> to vector<16xi32>
    %and3A_231 = arith.constant 16383 : i32
    %and3A_232 = vector.broadcast %and3A_231 : i32 to vector<16xi32>
    %and3A_233 = arith.andi %get3A_230, %and3A_232 : vector<16xi32>
    %swap3A_234 = arith.constant 1 : i32
    %swap3A_235 = arith.index_cast %swap3A_234 : i32 to index
    %swap3A_236 = arith.constant 16 : index
    %swap3A_237 = tpu.vector_load %arg7[%swap3A_235, %swap3A_236] {strides = array<i32>} : memref<2x128xi32, #tpu.memory_space<vmem>>, vector<1x16xi32>,
    %swap3A_238 = vector.shape_cast %swap3A_237 : vector<1x16xi32> to vector<16xi32>
    %swap3A_239 = vector.shape_cast %and3A_233 : vector<16xi32> to vector<1x16xi32>
    tpu.vector_store %arg7[%swap3A_235, %swap3A_236], %swap3A_239 {strides = array<i32>} : memref<2x128xi32, #tpu.memory_space<vmem>>, vector<1x16xi32>,
    %shift_right_arithmetic3A_240 = arith.constant 14 : i32
    %shift_right_arithmetic3A_241 = vector.broadcast %shift_right_arithmetic3A_240 : i32 to vector<16xi32>
    %shift_right_arithmetic3A_242 = arith.shrsi %get3A_230, %shift_right_arithmetic3A_241 : vector<16xi32>
    %swap3A_243 = arith.constant 1 : i32
    %swap3A_244 = arith.index_cast %swap3A_243 : i32 to index
    %swap3A_245 = arith.constant 16 : index
    %swap3A_246 = tpu.vector_load %arg8[%swap3A_244, %swap3A_245] {strides = array<i32>} : memref<2x128xi32, #tpu.memory_space<vmem>>, vector<1x16xi32>,
    %swap3A_247 = vector.shape_cast %swap3A_246 : vector<1x16xi32> to vector<16xi32>
    %swap3A_248 = vector.shape_cast %shift_right_arithmetic3A_242 : vector<16xi32> to vector<1x16xi32>
    tpu.vector_store %arg8[%swap3A_244, %swap3A_245], %swap3A_248 {strides = array<i32>} : memref<2x128xi32, #tpu.memory_space<vmem>>, vector<1x16xi32>,
    %get3A_249 = arith.constant 1 : i32
    %get3A_250 = arith.index_cast %get3A_249 : i32 to index
    %get3A_251 = arith.constant 32 : index
    %get3A_252 = tpu.vector_load %arg6[%get3A_250, %get3A_251] {strides = array<i32>} : memref<160x128xi32, #tpu.memory_space<vmem>>, vector<1x16xi32>,
    %get3A_253 = vector.shape_cast %get3A_252 : vector<1x16xi32> to vector<16xi32>
    %and3A_254 = arith.constant 16383 : i32
    %and3A_255 = vector.broadcast %and3A_254 : i32 to vector<16xi32>
    %and3A_256 = arith.andi %get3A_253, %and3A_255 : vector<16xi32>
    %swap3A_257 = arith.constant 1 : i32
    %swap3A_258 = arith.index_cast %swap3A_257 : i32 to index
    %swap3A_259 = arith.constant 32 : index
    %swap3A_260 = tpu.vector_load %arg7[%swap3A_258, %swap3A_259] {strides = array<i32>} : memref<2x128xi32, #tpu.memory_space<vmem>>, vector<1x16xi32>,
    %swap3A_261 = vector.shape_cast %swap3A_260 : vector<1x16xi32> to vector<16xi32>
    %swap3A_262 = vector.shape_cast %and3A_256 : vector<16xi32> to vector<1x16xi32>
    tpu.vector_store %arg7[%swap3A_258, %swap3A_259], %swap3A_262 {strides = array<i32>} : memref<2x128xi32, #tpu.memory_space<vmem>>, vector<1x16xi32>,
    %shift_right_arithmetic3A_263 = arith.constant 14 : i32
    %shift_right_arithmetic3A_264 = vector.broadcast %shift_right_arithmetic3A_263 : i32 to vector<16xi32>
    %shift_right_arithmetic3A_265 = arith.shrsi %get3A_253, %shift_right_arithmetic3A_264 : vector<16xi32>
    %swap3A_266 = arith.constant 1 : i32
    %swap3A_267 = arith.index_cast %swap3A_266 : i32 to index
    %swap3A_268 = arith.constant 32 : index
    %swap3A_269 = tpu.vector_load %arg8[%swap3A_267, %swap3A_268] {strides = array<i32>} : memref<2x128xi32, #tpu.memory_space<vmem>>, vector<1x16xi32>,
    %swap3A_270 = vector.shape_cast %swap3A_269 : vector<1x16xi32> to vector<16xi32>
    %swap3A_271 = vector.shape_cast %shift_right_arithmetic3A_265 : vector<16xi32> to vector<1x16xi32>
    tpu.vector_store %arg8[%swap3A_267, %swap3A_268], %swap3A_271 {strides = array<i32>} : memref<2x128xi32, #tpu.memory_space<vmem>>, vector<1x16xi32>,
    %get3A_272 = arith.constant 1 : i32
    %get3A_273 = arith.index_cast %get3A_272 : i32 to index
    %get3A_274 = arith.constant 48 : index
    %get3A_275 = tpu.vector_load %arg6[%get3A_273, %get3A_274] {strides = array<i32>} : memref<160x128xi32, #tpu.memory_space<vmem>>, vector<1x16xi32>,
    %get3A_276 = vector.shape_cast %get3A_275 : vector<1x16xi32> to vector<16xi32>
    %and3A_277 = arith.constant 16383 : i32
    %and3A_278 = vector.broadcast %and3A_277 : i32 to vector<16xi32>
    %and3A_279 = arith.andi %get3A_276, %and3A_278 : vector<16xi32>
    %swap3A_280 = arith.constant 1 : i32
    %swap3A_281 = arith.index_cast %swap3A_280 : i32 to index
    %swap3A_282 = arith.constant 48 : index
    %swap3A_283 = tpu.vector_load %arg7[%swap3A_281, %swap3A_282] {strides = array<i32>} : memref<2x128xi32, #tpu.memory_space<vmem>>, vector<1x16xi32>,
    %swap3A_284 = vector.shape_cast %swap3A_283 : vector<1x16xi32> to vector<16xi32>
    %swap3A_285 = vector.shape_cast %and3A_279 : vector<16xi32> to vector<1x16xi32>
    tpu.vector_store %arg7[%swap3A_281, %swap3A_282], %swap3A_285 {strides = array<i32>} : memref<2x128xi32, #tpu.memory_space<vmem>>, vector<1x16xi32>,
    %shift_right_arithmetic3A_286 = arith.constant 14 : i32
    %shift_right_arithmetic3A_287 = vector.broadcast %shift_right_arithmetic3A_286 : i32 to vector<16xi32>
    %shift_right_arithmetic3A_288 = arith.shrsi %get3A_276, %shift_right_arithmetic3A_287 : vector<16xi32>
    %swap3A_289 = arith.constant 1 : i32
    %swap3A_290 = arith.index_cast %swap3A_289 : i32 to index
    %swap3A_291 = arith.constant 48 : index
    %swap3A_292 = tpu.vector_load %arg8[%swap3A_290, %swap3A_291] {strides = array<i32>} : memref<2x128xi32, #tpu.memory_space<vmem>>, vector<1x16xi32>,
    %swap3A_293 = vector.shape_cast %swap3A_292 : vector<1x16xi32> to vector<16xi32>
    %swap3A_294 = vector.shape_cast %shift_right_arithmetic3A_288 : vector<16xi32> to vector<1x16xi32>
    tpu.vector_store %arg8[%swap3A_290, %swap3A_291], %swap3A_294 {strides = array<i32>} : memref<2x128xi32, #tpu.memory_space<vmem>>, vector<1x16xi32>,
    %get3A_295 = arith.constant 1 : i32
    %get3A_296 = arith.index_cast %get3A_295 : i32 to index
    %get3A_297 = arith.constant 64 : index
    %get3A_298 = tpu.vector_load %arg6[%get3A_296, %get3A_297] {strides = array<i32>} : memref<160x128xi32, #tpu.memory_space<vmem>>, vector<1x16xi32>,
    %get3A_299 = vector.shape_cast %get3A_298 : vector<1x16xi32> to vector<16xi32>
    %and3A_300 = arith.constant 16383 : i32
    %and3A_301 = vector.broadcast %and3A_300 : i32 to vector<16xi32>
    %and3A_302 = arith.andi %get3A_299, %and3A_301 : vector<16xi32>
    %swap3A_303 = arith.constant 1 : i32
    %swap3A_304 = arith.index_cast %swap3A_303 : i32 to index
    %swap3A_305 = arith.constant 64 : index
    %swap3A_306 = tpu.vector_load %arg7[%swap3A_304, %swap3A_305] {strides = array<i32>} : memref<2x128xi32, #tpu.memory_space<vmem>>, vector<1x16xi32>,
    %swap3A_307 = vector.shape_cast %swap3A_306 : vector<1x16xi32> to vector<16xi32>
    %swap3A_308 = vector.shape_cast %and3A_302 : vector<16xi32> to vector<1x16xi32>
    tpu.vector_store %arg7[%swap3A_304, %swap3A_305], %swap3A_308 {strides = array<i32>} : memref<2x128xi32, #tpu.memory_space<vmem>>, vector<1x16xi32>,
    %shift_right_arithmetic3A_309 = arith.constant 14 : i32
    %shift_right_arithmetic3A_310 = vector.broadcast %shift_right_arithmetic3A_309 : i32 to vector<16xi32>
    %shift_right_arithmetic3A_311 = arith.shrsi %get3A_299, %shift_right_arithmetic3A_310 : vector<16xi32>
    %swap3A_312 = arith.constant 1 : i32
    %swap3A_313 = arith.index_cast %swap3A_312 : i32 to index
    %swap3A_314 = arith.constant 64 : index
    %swap3A_315 = tpu.vector_load %arg8[%swap3A_313, %swap3A_314] {strides = array<i32>} : memref<2x128xi32, #tpu.memory_space<vmem>>, vector<1x16xi32>,
    %swap3A_316 = vector.shape_cast %swap3A_315 : vector<1x16xi32> to vector<16xi32>
    %swap3A_317 = vector.shape_cast %shift_right_arithmetic3A_311 : vector<16xi32> to vector<1x16xi32>
    tpu.vector_store %arg8[%swap3A_313, %swap3A_314], %swap3A_317 {strides = array<i32>} : memref<2x128xi32, #tpu.memory_space<vmem>>, vector<1x16xi32>,
    %get3A_318 = arith.constant 1 : i32
    %get3A_319 = arith.index_cast %get3A_318 : i32 to index
    %get3A_320 = arith.constant 80 : index
    %get3A_321 = tpu.vector_load %arg6[%get3A_319, %get3A_320] {strides = array<i32>} : memref<160x128xi32, #tpu.memory_space<vmem>>, vector<1x16xi32>,
    %get3A_322 = vector.shape_cast %get3A_321 : vector<1x16xi32> to vector<16xi32>
    %and3A_323 = arith.constant 16383 : i32
    %and3A_324 = vector.broadcast %and3A_323 : i32 to vector<16xi32>
    %and3A_325 = arith.andi %get3A_322, %and3A_324 : vector<16xi32>
    %swap3A_326 = arith.constant 1 : i32
    %swap3A_327 = arith.index_cast %swap3A_326 : i32 to index
    %swap3A_328 = arith.constant 80 : index
    %swap3A_329 = tpu.vector_load %arg7[%swap3A_327, %swap3A_328] {strides = array<i32>} : memref<2x128xi32, #tpu.memory_space<vmem>>, vector<1x16xi32>,
    %swap3A_330 = vector.shape_cast %swap3A_329 : vector<1x16xi32> to vector<16xi32>
    %swap3A_331 = vector.shape_cast %and3A_325 : vector<16xi32> to vector<1x16xi32>
    tpu.vector_store %arg7[%swap3A_327, %swap3A_328], %swap3A_331 {strides = array<i32>} : memref<2x128xi32, #tpu.memory_space<vmem>>, vector<1x16xi32>,
    %shift_right_arithmetic3A_332 = arith.constant 14 : i32
    %shift_right_arithmetic3A_333 = vector.broadcast %shift_right_arithmetic3A_332 : i32 to vector<16xi32>
    %shift_right_arithmetic3A_334 = arith.shrsi %get3A_322, %shift_right_arithmetic3A_333 : vector<16xi32>
    %swap3A_335 = arith.constant 1 : i32
    %swap3A_336 = arith.index_cast %swap3A_335 : i32 to index
    %swap3A_337 = arith.constant 80 : index
    %swap3A_338 = tpu.vector_load %arg8[%swap3A_336, %swap3A_337] {strides = array<i32>} : memref<2x128xi32, #tpu.memory_space<vmem>>, vector<1x16xi32>,
    %swap3A_339 = vector.shape_cast %swap3A_338 : vector<1x16xi32> to vector<16xi32>
    %swap3A_340 = vector.shape_cast %shift_right_arithmetic3A_334 : vector<16xi32> to vector<1x16xi32>
    tpu.vector_store %arg8[%swap3A_336, %swap3A_337], %swap3A_340 {strides = array<i32>} : memref<2x128xi32, #tpu.memory_space<vmem>>, vector<1x16xi32>,
    %get3A_341 = arith.constant 1 : i32
    %get3A_342 = arith.index_cast %get3A_341 : i32 to index
    %get3A_343 = arith.constant 96 : index
    %get3A_344 = tpu.vector_load %arg6[%get3A_342, %get3A_343] {strides = array<i32>} : memref<160x128xi32, #tpu.memory_space<vmem>>, vector<1x16xi32>,
    %get3A_345 = vector.shape_cast %get3A_344 : vector<1x16xi32> to vector<16xi32>
    %and3A_346 = arith.constant 16383 : i32
    %and3A_347 = vector.broadcast %and3A_346 : i32 to vector<16xi32>
    %and3A_348 = arith.andi %get3A_345, %and3A_347 : vector<16xi32>
    %swap3A_349 = arith.constant 1 : i32
    %swap3A_350 = arith.index_cast %swap3A_349 : i32 to index
    %swap3A_351 = arith.constant 96 : index
    %swap3A_352 = tpu.vector_load %arg7[%swap3A_350, %swap3A_351] {strides = array<i32>} : memref<2x128xi32, #tpu.memory_space<vmem>>, vector<1x16xi32>,
    %swap3A_353 = vector.shape_cast %swap3A_352 : vector<1x16xi32> to vector<16xi32>
    %swap3A_354 = vector.shape_cast %and3A_348 : vector<16xi32> to vector<1x16xi32>
    tpu.vector_store %arg7[%swap3A_350, %swap3A_351], %swap3A_354 {strides = array<i32>} : memref<2x128xi32, #tpu.memory_space<vmem>>, vector<1x16xi32>,
    %shift_right_arithmetic3A_355 = arith.constant 14 : i32
    %shift_right_arithmetic3A_356 = vector.broadcast %shift_right_arithmetic3A_355 : i32 to vector<16xi32>
    %shift_right_arithmetic3A_357 = arith.shrsi %get3A_345, %shift_right_arithmetic3A_356 : vector<16xi32>
    %swap3A_358 = arith.constant 1 : i32
    %swap3A_359 = arith.index_cast %swap3A_358 : i32 to index
    %swap3A_360 = arith.constant 96 : index
    %swap3A_361 = tpu.vector_load %arg8[%swap3A_359, %swap3A_360] {strides = array<i32>} : memref<2x128xi32, #tpu.memory_space<vmem>>, vector<1x16xi32>,
    %swap3A_362 = vector.shape_cast %swap3A_361 : vector<1x16xi32> to vector<16xi32>
    %swap3A_363 = vector.shape_cast %shift_right_arithmetic3A_357 : vector<16xi32> to vector<1x16xi32>
    tpu.vector_store %arg8[%swap3A_359, %swap3A_360], %swap3A_363 {strides = array<i32>} : memref<2x128xi32, #tpu.memory_space<vmem>>, vector<1x16xi32>,
    %get3A_364 = arith.constant 1 : i32
    %get3A_365 = arith.index_cast %get3A_364 : i32 to index
    %get3A_366 = arith.constant 112 : index
    %get3A_367 = tpu.vector_load %arg6[%get3A_365, %get3A_366] {strides = array<i32>} : memref<160x128xi32, #tpu.memory_space<vmem>>, vector<1x16xi32>,
    %get3A_368 = vector.shape_cast %get3A_367 : vector<1x16xi32> to vector<16xi32>
    %and3A_369 = arith.constant 16383 : i32
    %and3A_370 = vector.broadcast %and3A_369 : i32 to vector<16xi32>
    %and3A_371 = arith.andi %get3A_368, %and3A_370 : vector<16xi32>
    %swap3A_372 = arith.constant 1 : i32
    %swap3A_373 = arith.index_cast %swap3A_372 : i32 to index
    %swap3A_374 = arith.constant 112 : index
    %swap3A_375 = tpu.vector_load %arg7[%swap3A_373, %swap3A_374] {strides = array<i32>} : memref<2x128xi32, #tpu.memory_space<vmem>>, vector<1x16xi32>,
    %swap3A_376 = vector.shape_cast %swap3A_375 : vector<1x16xi32> to vector<16xi32>
    %swap3A_377 = vector.shape_cast %and3A_371 : vector<16xi32> to vector<1x16xi32>
    tpu.vector_store %arg7[%swap3A_373, %swap3A_374], %swap3A_377 {strides = array<i32>} : memref<2x128xi32, #tpu.memory_space<vmem>>, vector<1x16xi32>,
    %shift_right_arithmetic3A_378 = arith.constant 14 : i32
    %shift_right_arithmetic3A_379 = vector.broadcast %shift_right_arithmetic3A_378 : i32 to vector<16xi32>
    %shift_right_arithmetic3A_380 = arith.shrsi %get3A_368, %shift_right_arithmetic3A_379 : vector<16xi32>
    %swap3A_381 = arith.constant 1 : i32
    %swap3A_382 = arith.index_cast %swap3A_381 : i32 to index
    %swap3A_383 = arith.constant 112 : index
    %swap3A_384 = tpu.vector_load %arg8[%swap3A_382, %swap3A_383] {strides = array<i32>} : memref<2x128xi32, #tpu.memory_space<vmem>>, vector<1x16xi32>,
    %swap3A_385 = vector.shape_cast %swap3A_384 : vector<1x16xi32> to vector<16xi32>
    %swap3A_386 = vector.shape_cast %shift_right_arithmetic3A_380 : vector<16xi32> to vector<1x16xi32>
    tpu.vector_store %arg8[%swap3A_382, %swap3A_383], %swap3A_386 {strides = array<i32>} : memref<2x128xi32, #tpu.memory_space<vmem>>, vector<1x16xi32>,
    %dma_start3A_387 = arith.constant 1 : i32
    %dma_start3A_388 = arith.constant 1 : i32
    %dma_start3A_389 = arith.constant 1 : i32
    %dma_start3A_390 = arith.constant 0 : i32
    %dma_start3A_391 = arith.constant 0 : i32
    %dma_start3A_392 = tpu.memref_slice %arg9[%dma_start3A_388, %dma_start3A_390, %dma_start3A_391] : memref<2x128x64xf32, #tpu.memory_space<vmem>> -> memref<1x128x64xf32, #tpu.memory_space<vmem>>
    %dma_start3A_393 = tpu.memref_squeeze %dma_start3A_392 : memref<1x128x64xf32, #tpu.memory_space<vmem>> -> memref<128x64xf32, #tpu.memory_space<vmem>>
    %dma_start3A_394 = arith.constant 0 : i32
    %dma_start3A_395 = tpu.memref_slice %arg7[%dma_start3A_387, %dma_start3A_394] : memref<2x128xi32, #tpu.memory_space<vmem>> -> memref<1x128xi32, #tpu.memory_space<vmem>>
    %dma_start3A_396 = tpu.memref_squeeze %dma_start3A_395 : memref<1x128xi32, #tpu.memory_space<vmem>> -> memref<128xi32, #tpu.memory_space<vmem>>
    %dma_start3A_397 = arith.constant 0 : i32
    %dma_start3A_398 = arith.constant 0 : i32
    %dma_start3A_399 = tpu.memref_slice %arg10[%dma_start3A_397, %dma_start3A_398] : memref<10240x64xf32, #tpu.memory_space<vmem_shared>> -> memref<10240x64xf32, #tpu.memory_space<vmem_shared>>
    %dma_start3A_400 = tpu.memref_slice %arg12[%dma_start3A_389] : memref<2x!tpu.dma_semaphore, #tpu.memory_space<semaphore_mem>> -> memref<1x!tpu.dma_semaphore, #tpu.memory_space<semaphore_mem>>
    %dma_start3A_401 = tpu.memref_squeeze %dma_start3A_400 : memref<1x!tpu.dma_semaphore, #tpu.memory_space<semaphore_mem>> -> memref<!tpu.dma_semaphore, #tpu.memory_space<semaphore_mem>>
    tpu.enqueue_indirect_dma source(%dma_start3A_399 : memref<10240x64xf32, #tpu.memory_space<vmem_shared>>) target(%dma_start3A_393 : memref<128x64xf32, #tpu.memory_space<vmem>>) offsets(%dma_start3A_396 : memref<128xi32, #tpu.memory_space<vmem>>) semaphore(%dma_start3A_401 : memref<!tpu.dma_semaphore, #tpu.memory_space<semaphore_mem>>)
    %scan3A = arith.constant 0 : i32
    %scan3A_402 = arith.constant 0 : i32
    %scan3A_403 = arith.constant 80 : i32
    %scan3A_404 = arith.addi %scan3A_402, %scan3A_403 : i32
    %scan3A_405 = arith.constant 1 : i32
    scf.for %scan3A_412 = %scan3A_402 to %scan3A_404 step %scan3A_405  : i32 {
      %mul3A_413 = arith.constant 2 : i32
      %mul3A_414 = arith.muli %scan3A_412, %mul3A_413 : i32
      %dma_wait3A = arith.constant 0 : i32
      %dma_wait3A_415 = arith.constant 0 : i32
      %dma_wait3A_416 = arith.constant 0 : i32
      %dma_wait3A_417 = arith.constant 0 : i32
      %dma_wait3A_418 = arith.constant 0 : i32
      %dma_wait3A_419 = tpu.memref_slice %arg9[%dma_wait3A_415, %dma_wait3A_417, %dma_wait3A_418] : memref<2x128x64xf32, #tpu.memory_space<vmem>> -> memref<1x128x64xf32, #tpu.memory_space<vmem>>
      %dma_wait3A_420 = tpu.memref_squeeze %dma_wait3A_419 : memref<1x128x64xf32, #tpu.memory_space<vmem>> -> memref<128x64xf32, #tpu.memory_space<vmem>>
      %dma_wait3A_421 = arith.constant 0 : i32
      %dma_wait3A_422 = tpu.memref_slice %arg7[%dma_wait3A, %dma_wait3A_421] : memref<2x128xi32, #tpu.memory_space<vmem>> -> memref<1x128xi32, #tpu.memory_space<vmem>>
      %dma_wait3A_423 = tpu.memref_squeeze %dma_wait3A_422 : memref<1x128xi32, #tpu.memory_space<vmem>> -> memref<128xi32, #tpu.memory_space<vmem>>
      %dma_wait3A_424 = arith.constant 0 : i32
      %dma_wait3A_425 = arith.constant 0 : i32
      %dma_wait3A_426 = tpu.memref_slice %arg10[%dma_wait3A_424, %dma_wait3A_425] : memref<10240x64xf32, #tpu.memory_space<vmem_shared>> -> memref<10240x64xf32, #tpu.memory_space<vmem_shared>>
      %dma_wait3A_427 = tpu.memref_slice %arg12[%dma_wait3A_416] : memref<2x!tpu.dma_semaphore, #tpu.memory_space<semaphore_mem>> -> memref<1x!tpu.dma_semaphore, #tpu.memory_space<semaphore_mem>>
      %dma_wait3A_428 = tpu.memref_squeeze %dma_wait3A_427 : memref<1x!tpu.dma_semaphore, #tpu.memory_space<semaphore_mem>> -> memref<!tpu.dma_semaphore, #tpu.memory_space<semaphore_mem>>
      tpu.wait_indirect_dma semaphore(%dma_wait3A_428 : memref<!tpu.dma_semaphore, #tpu.memory_space<semaphore_mem>>) src(%dma_wait3A_426 : memref<10240x64xf32, #tpu.memory_space<vmem_shared>>) dst(%dma_wait3A_420 : memref<128x64xf32, #tpu.memory_space<vmem>>)
      %dma_start3A_429 = arith.constant 0 : i32
      %dma_start3A_430 = arith.constant 0 : i32
      %dma_start3A_431 = arith.constant 0 : i32
      %dma_start3A_432 = arith.constant 0 : i32
      %dma_start3A_433 = arith.constant 0 : i32
      %dma_start3A_434 = tpu.memref_slice %arg9[%dma_start3A_429, %dma_start3A_432, %dma_start3A_433] : memref<2x128x64xf32, #tpu.memory_space<vmem>> -> memref<1x128x64xf32, #tpu.memory_space<vmem>>
      %dma_start3A_435 = tpu.memref_squeeze %dma_start3A_434 : memref<1x128x64xf32, #tpu.memory_space<vmem>> -> memref<128x64xf32, #tpu.memory_space<vmem>>
      %dma_start3A_436 = arith.constant 0 : i32
      %dma_start3A_437 = tpu.memref_slice %arg8[%dma_start3A_430, %dma_start3A_436] : memref<2x128xi32, #tpu.memory_space<vmem>> -> memref<1x128xi32, #tpu.memory_space<vmem>>
      %dma_start3A_438 = tpu.memref_squeeze %dma_start3A_437 : memref<1x128xi32, #tpu.memory_space<vmem>> -> memref<128xi32, #tpu.memory_space<vmem>>
      %dma_start3A_439 = arith.constant 0 : i32
      %dma_start3A_440 = arith.constant 0 : i32
      %dma_start3A_441 = tpu.memref_slice %arg11[%dma_start3A_439, %dma_start3A_440] : memref<10240x64xf32, #tpu.memory_space<vmem_shared>> -> memref<10240x64xf32, #tpu.memory_space<vmem_shared>>
      %dma_start3A_442 = tpu.memref_slice %arg13[%dma_start3A_431] : memref<2x!tpu.dma_semaphore, #tpu.memory_space<semaphore_mem>> -> memref<1x!tpu.dma_semaphore, #tpu.memory_space<semaphore_mem>>
      %dma_start3A_443 = tpu.memref_squeeze %dma_start3A_442 : memref<1x!tpu.dma_semaphore, #tpu.memory_space<semaphore_mem>> -> memref<!tpu.dma_semaphore, #tpu.memory_space<semaphore_mem>>
      tpu.enqueue_indirect_dma source(%dma_start3A_435 : memref<128x64xf32, #tpu.memory_space<vmem>>) target(%dma_start3A_441 : memref<10240x64xf32, #tpu.memory_space<vmem_shared>>) offsets(%dma_start3A_438 : memref<128xi32, #tpu.memory_space<vmem>>) semaphore(%dma_start3A_443 : memref<!tpu.dma_semaphore, #tpu.memory_space<semaphore_mem>>) {add = true}
      %dma_wait3A_444 = arith.constant 1 : i32
      %dma_wait3A_445 = arith.constant 1 : i32
      %dma_wait3A_446 = arith.constant 1 : i32
      %dma_wait3A_447 = arith.constant 0 : i32
      %dma_wait3A_448 = arith.constant 0 : i32
      %dma_wait3A_449 = tpu.memref_slice %arg9[%dma_wait3A_445, %dma_wait3A_447, %dma_wait3A_448] : memref<2x128x64xf32, #tpu.memory_space<vmem>> -> memref<1x128x64xf32, #tpu.memory_space<vmem>>
      %dma_wait3A_450 = tpu.memref_squeeze %dma_wait3A_449 : memref<1x128x64xf32, #tpu.memory_space<vmem>> -> memref<128x64xf32, #tpu.memory_space<vmem>>
      %dma_wait3A_451 = arith.constant 0 : i32
      %dma_wait3A_452 = tpu.memref_slice %arg7[%dma_wait3A_444, %dma_wait3A_451] : memref<2x128xi32, #tpu.memory_space<vmem>> -> memref<1x128xi32, #tpu.memory_space<vmem>>
      %dma_wait3A_453 = tpu.memref_squeeze %dma_wait3A_452 : memref<1x128xi32, #tpu.memory_space<vmem>> -> memref<128xi32, #tpu.memory_space<vmem>>
      %dma_wait3A_454 = arith.constant 0 : i32
      %dma_wait3A_455 = arith.constant 0 : i32
      %dma_wait3A_456 = tpu.memref_slice %arg10[%dma_wait3A_454, %dma_wait3A_455] : memref<10240x64xf32, #tpu.memory_space<vmem_shared>> -> memref<10240x64xf32, #tpu.memory_space<vmem_shared>>
      %dma_wait3A_457 = tpu.memref_slice %arg12[%dma_wait3A_446] : memref<2x!tpu.dma_semaphore, #tpu.memory_space<semaphore_mem>> -> memref<1x!tpu.dma_semaphore, #tpu.memory_space<semaphore_mem>>
      %dma_wait3A_458 = tpu.memref_squeeze %dma_wait3A_457 : memref<1x!tpu.dma_semaphore, #tpu.memory_space<semaphore_mem>> -> memref<!tpu.dma_semaphore, #tpu.memory_space<semaphore_mem>>
      tpu.wait_indirect_dma semaphore(%dma_wait3A_458 : memref<!tpu.dma_semaphore, #tpu.memory_space<semaphore_mem>>) src(%dma_wait3A_456 : memref<10240x64xf32, #tpu.memory_space<vmem_shared>>) dst(%dma_wait3A_450 : memref<128x64xf32, #tpu.memory_space<vmem>>)
      %dma_start3A_459 = arith.constant 1 : i32
      %dma_start3A_460 = arith.constant 1 : i32
      %dma_start3A_461 = arith.constant 1 : i32
      %dma_start3A_462 = arith.constant 0 : i32
      %dma_start3A_463 = arith.constant 0 : i32
      %dma_start3A_464 = tpu.memref_slice %arg9[%dma_start3A_459, %dma_start3A_462, %dma_start3A_463] : memref<2x128x64xf32, #tpu.memory_space<vmem>> -> memref<1x128x64xf32, #tpu.memory_space<vmem>>
      %dma_start3A_465 = tpu.memref_squeeze %dma_start3A_464 : memref<1x128x64xf32, #tpu.memory_space<vmem>> -> memref<128x64xf32, #tpu.memory_space<vmem>>
      %dma_start3A_466 = arith.constant 0 : i32
      %dma_start3A_467 = tpu.memref_slice %arg8[%dma_start3A_460, %dma_start3A_466] : memref<2x128xi32, #tpu.memory_space<vmem>> -> memref<1x128xi32, #tpu.memory_space<vmem>>
      %dma_start3A_468 = tpu.memref_squeeze %dma_start3A_467 : memref<1x128xi32, #tpu.memory_space<vmem>> -> memref<128xi32, #tpu.memory_space<vmem>>
      %dma_start3A_469 = arith.constant 0 : i32
      %dma_start3A_470 = arith.constant 0 : i32
      %dma_start3A_471 = tpu.memref_slice %arg11[%dma_start3A_469, %dma_start3A_470] : memref<10240x64xf32, #tpu.memory_space<vmem_shared>> -> memref<10240x64xf32, #tpu.memory_space<vmem_shared>>
      %dma_start3A_472 = tpu.memref_slice %arg13[%dma_start3A_461] : memref<2x!tpu.dma_semaphore, #tpu.memory_space<semaphore_mem>> -> memref<1x!tpu.dma_semaphore, #tpu.memory_space<semaphore_mem>>
      %dma_start3A_473 = tpu.memref_squeeze %dma_start3A_472 : memref<1x!tpu.dma_semaphore, #tpu.memory_space<semaphore_mem>> -> memref<!tpu.dma_semaphore, #tpu.memory_space<semaphore_mem>>
      tpu.enqueue_indirect_dma source(%dma_start3A_465 : memref<128x64xf32, #tpu.memory_space<vmem>>) target(%dma_start3A_471 : memref<10240x64xf32, #tpu.memory_space<vmem_shared>>) offsets(%dma_start3A_468 : memref<128xi32, #tpu.memory_space<vmem>>) semaphore(%dma_start3A_473 : memref<!tpu.dma_semaphore, #tpu.memory_space<semaphore_mem>>) {add = true}
      %dma_wait3A_474 = arith.constant 0 : i32
      %dma_wait3A_475 = arith.constant 0 : i32
      %dma_wait3A_476 = arith.constant 0 : i32
      %dma_wait3A_477 = arith.constant 0 : i32
      %dma_wait3A_478 = arith.constant 0 : i32
      %dma_wait3A_479 = tpu.memref_slice %arg9[%dma_wait3A_474, %dma_wait3A_477, %dma_wait3A_478] : memref<2x128x64xf32, #tpu.memory_space<vmem>> -> memref<1x128x64xf32, #tpu.memory_space<vmem>>
      %dma_wait3A_480 = tpu.memref_squeeze %dma_wait3A_479 : memref<1x128x64xf32, #tpu.memory_space<vmem>> -> memref<128x64xf32, #tpu.memory_space<vmem>>
      %dma_wait3A_481 = arith.constant 0 : i32
      %dma_wait3A_482 = tpu.memref_slice %arg8[%dma_wait3A_475, %dma_wait3A_481] : memref<2x128xi32, #tpu.memory_space<vmem>> -> memref<1x128xi32, #tpu.memory_space<vmem>>
      %dma_wait3A_483 = tpu.memref_squeeze %dma_wait3A_482 : memref<1x128xi32, #tpu.memory_space<vmem>> -> memref<128xi32, #tpu.memory_space<vmem>>
      %dma_wait3A_484 = arith.constant 0 : i32
      %dma_wait3A_485 = arith.constant 0 : i32
      %dma_wait3A_486 = tpu.memref_slice %arg11[%dma_wait3A_484, %dma_wait3A_485] : memref<10240x64xf32, #tpu.memory_space<vmem_shared>> -> memref<10240x64xf32, #tpu.memory_space<vmem_shared>>
      %dma_wait3A_487 = tpu.memref_slice %arg13[%dma_wait3A_476] : memref<2x!tpu.dma_semaphore, #tpu.memory_space<semaphore_mem>> -> memref<1x!tpu.dma_semaphore, #tpu.memory_space<semaphore_mem>>
      %dma_wait3A_488 = tpu.memref_squeeze %dma_wait3A_487 : memref<1x!tpu.dma_semaphore, #tpu.memory_space<semaphore_mem>> -> memref<!tpu.dma_semaphore, #tpu.memory_space<semaphore_mem>>
      tpu.wait_indirect_dma semaphore(%dma_wait3A_488 : memref<!tpu.dma_semaphore, #tpu.memory_space<semaphore_mem>>) src(%dma_wait3A_480 : memref<128x64xf32, #tpu.memory_space<vmem>>) dst(%dma_wait3A_486 : memref<10240x64xf32, #tpu.memory_space<vmem_shared>>)
      %add3A = arith.constant 2 : i32
      %add3A_489 = arith.addi %mul3A_414, %add3A : i32
      %add3A_490 = arith.constant 0 : i32
      %add3A_491 = arith.addi %add3A_489, %add3A_490 : i32
      %min3A = arith.constant 159 : i32
      %min3A_492 = arith.minsi %add3A_491, %min3A : i32
      %add3A_493 = arith.constant 1 : i32
      %add3A_494 = arith.addi %scan3A_412, %add3A_493 : i32
      %lt3A = arith.constant 80 : i32
      %lt3A_495 = arith.cmpi slt, %add3A_494, %lt3A : i32
      %convert_element_type3A = arith.extui %lt3A_495 : i1 to i32
      %cond3A = arith.constant 0 : i32
      %cond3A_496 = arith.cmpi ne, %convert_element_type3A, %cond3A : i32
      scf.if %cond3A_496 {
        %get3A_525 = arith.index_cast %min3A_492 : i32 to index
        %get3A_526 = arith.constant 0 : index
        %get3A_527 = tpu.vector_load %arg6[%get3A_525, %get3A_526] {strides = array<i32>} : memref<160x128xi32, #tpu.memory_space<vmem>>, vector<1x16xi32>,
        %get3A_528 = vector.shape_cast %get3A_527 : vector<1x16xi32> to vector<16xi32>
        %and3A_529 = arith.constant 16383 : i32
        %and3A_530 = vector.broadcast %and3A_529 : i32 to vector<16xi32>
        %and3A_531 = arith.andi %get3A_528, %and3A_530 : vector<16xi32>
        %swap3A_532 = arith.constant 0 : i32
        %swap3A_533 = arith.index_cast %swap3A_532 : i32 to index
        %swap3A_534 = arith.constant 0 : index
        %swap3A_535 = tpu.vector_load %arg7[%swap3A_533, %swap3A_534] {strides = array<i32>} : memref<2x128xi32, #tpu.memory_space<vmem>>, vector<1x16xi32>,
        %swap3A_536 = vector.shape_cast %swap3A_535 : vector<1x16xi32> to vector<16xi32>
        %swap3A_537 = vector.shape_cast %and3A_531 : vector<16xi32> to vector<1x16xi32>
        tpu.vector_store %arg7[%swap3A_533, %swap3A_534], %swap3A_537 {strides = array<i32>} : memref<2x128xi32, #tpu.memory_space<vmem>>, vector<1x16xi32>,
        %shift_right_arithmetic3A_538 = arith.constant 14 : i32
        %shift_right_arithmetic3A_539 = vector.broadcast %shift_right_arithmetic3A_538 : i32 to vector<16xi32>
        %shift_right_arithmetic3A_540 = arith.shrsi %get3A_528, %shift_right_arithmetic3A_539 : vector<16xi32>
        %swap3A_541 = arith.constant 0 : i32
        %swap3A_542 = arith.index_cast %swap3A_541 : i32 to index
        %swap3A_543 = arith.constant 0 : index
        %swap3A_544 = tpu.vector_load %arg8[%swap3A_542, %swap3A_543] {strides = array<i32>} : memref<2x128xi32, #tpu.memory_space<vmem>>, vector<1x16xi32>,
        %swap3A_545 = vector.shape_cast %swap3A_544 : vector<1x16xi32> to vector<16xi32>
        %swap3A_546 = vector.shape_cast %shift_right_arithmetic3A_540 : vector<16xi32> to vector<1x16xi32>
        tpu.vector_store %arg8[%swap3A_542, %swap3A_543], %swap3A_546 {strides = array<i32>} : memref<2x128xi32, #tpu.memory_space<vmem>>, vector<1x16xi32>,
        %get3A_547 = arith.index_cast %min3A_492 : i32 to index
        %get3A_548 = arith.constant 16 : index
        %get3A_549 = tpu.vector_load %arg6[%get3A_547, %get3A_548] {strides = array<i32>} : memref<160x128xi32, #tpu.memory_space<vmem>>, vector<1x16xi32>,
        %get3A_550 = vector.shape_cast %get3A_549 : vector<1x16xi32> to vector<16xi32>
        %and3A_551 = arith.constant 16383 : i32
        %and3A_552 = vector.broadcast %and3A_551 : i32 to vector<16xi32>
        %and3A_553 = arith.andi %get3A_550, %and3A_552 : vector<16xi32>
        %swap3A_554 = arith.constant 0 : i32
        %swap3A_555 = arith.index_cast %swap3A_554 : i32 to index
        %swap3A_556 = arith.constant 16 : index
        %swap3A_557 = tpu.vector_load %arg7[%swap3A_555, %swap3A_556] {strides = array<i32>} : memref<2x128xi32, #tpu.memory_space<vmem>>, vector<1x16xi32>,
        %swap3A_558 = vector.shape_cast %swap3A_557 : vector<1x16xi32> to vector<16xi32>
        %swap3A_559 = vector.shape_cast %and3A_553 : vector<16xi32> to vector<1x16xi32>
        tpu.vector_store %arg7[%swap3A_555, %swap3A_556], %swap3A_559 {strides = array<i32>} : memref<2x128xi32, #tpu.memory_space<vmem>>, vector<1x16xi32>,
        %shift_right_arithmetic3A_560 = arith.constant 14 : i32
        %shift_right_arithmetic3A_561 = vector.broadcast %shift_right_arithmetic3A_560 : i32 to vector<16xi32>
        %shift_right_arithmetic3A_562 = arith.shrsi %get3A_550, %shift_right_arithmetic3A_561 : vector<16xi32>
        %swap3A_563 = arith.constant 0 : i32
        %swap3A_564 = arith.index_cast %swap3A_563 : i32 to index
        %swap3A_565 = arith.constant 16 : index
        %swap3A_566 = tpu.vector_load %arg8[%swap3A_564, %swap3A_565] {strides = array<i32>} : memref<2x128xi32, #tpu.memory_space<vmem>>, vector<1x16xi32>,
        %swap3A_567 = vector.shape_cast %swap3A_566 : vector<1x16xi32> to vector<16xi32>
        %swap3A_568 = vector.shape_cast %shift_right_arithmetic3A_562 : vector<16xi32> to vector<1x16xi32>
        tpu.vector_store %arg8[%swap3A_564, %swap3A_565], %swap3A_568 {strides = array<i32>} : memref<2x128xi32, #tpu.memory_space<vmem>>, vector<1x16xi32>,
        %get3A_569 = arith.index_cast %min3A_492 : i32 to index
        %get3A_570 = arith.constant 32 : index
        %get3A_571 = tpu.vector_load %arg6[%get3A_569, %get3A_570] {strides = array<i32>} : memref<160x128xi32, #tpu.memory_space<vmem>>, vector<1x16xi32>,
        %get3A_572 = vector.shape_cast %get3A_571 : vector<1x16xi32> to vector<16xi32>
        %and3A_573 = arith.constant 16383 : i32
        %and3A_574 = vector.broadcast %and3A_573 : i32 to vector<16xi32>
        %and3A_575 = arith.andi %get3A_572, %and3A_574 : vector<16xi32>
        %swap3A_576 = arith.constant 0 : i32
        %swap3A_577 = arith.index_cast %swap3A_576 : i32 to index
        %swap3A_578 = arith.constant 32 : index
        %swap3A_579 = tpu.vector_load %arg7[%swap3A_577, %swap3A_578] {strides = array<i32>} : memref<2x128xi32, #tpu.memory_space<vmem>>, vector<1x16xi32>,
        %swap3A_580 = vector.shape_cast %swap3A_579 : vector<1x16xi32> to vector<16xi32>
        %swap3A_581 = vector.shape_cast %and3A_575 : vector<16xi32> to vector<1x16xi32>
        tpu.vector_store %arg7[%swap3A_577, %swap3A_578], %swap3A_581 {strides = array<i32>} : memref<2x128xi32, #tpu.memory_space<vmem>>, vector<1x16xi32>,
        %shift_right_arithmetic3A_582 = arith.constant 14 : i32
        %shift_right_arithmetic3A_583 = vector.broadcast %shift_right_arithmetic3A_582 : i32 to vector<16xi32>
        %shift_right_arithmetic3A_584 = arith.shrsi %get3A_572, %shift_right_arithmetic3A_583 : vector<16xi32>
        %swap3A_585 = arith.constant 0 : i32
        %swap3A_586 = arith.index_cast %swap3A_585 : i32 to index
        %swap3A_587 = arith.constant 32 : index
        %swap3A_588 = tpu.vector_load %arg8[%swap3A_586, %swap3A_587] {strides = array<i32>} : memref<2x128xi32, #tpu.memory_space<vmem>>, vector<1x16xi32>,
        %swap3A_589 = vector.shape_cast %swap3A_588 : vector<1x16xi32> to vector<16xi32>
        %swap3A_590 = vector.shape_cast %shift_right_arithmetic3A_584 : vector<16xi32> to vector<1x16xi32>
        tpu.vector_store %arg8[%swap3A_586, %swap3A_587], %swap3A_590 {strides = array<i32>} : memref<2x128xi32, #tpu.memory_space<vmem>>, vector<1x16xi32>,
        %get3A_591 = arith.index_cast %min3A_492 : i32 to index
        %get3A_592 = arith.constant 48 : index
        %get3A_593 = tpu.vector_load %arg6[%get3A_591, %get3A_592] {strides = array<i32>} : memref<160x128xi32, #tpu.memory_space<vmem>>, vector<1x16xi32>,
        %get3A_594 = vector.shape_cast %get3A_593 : vector<1x16xi32> to vector<16xi32>
        %and3A_595 = arith.constant 16383 : i32
        %and3A_596 = vector.broadcast %and3A_595 : i32 to vector<16xi32>
        %and3A_597 = arith.andi %get3A_594, %and3A_596 : vector<16xi32>
        %swap3A_598 = arith.constant 0 : i32
        %swap3A_599 = arith.index_cast %swap3A_598 : i32 to index
        %swap3A_600 = arith.constant 48 : index
        %swap3A_601 = tpu.vector_load %arg7[%swap3A_599, %swap3A_600] {strides = array<i32>} : memref<2x128xi32, #tpu.memory_space<vmem>>, vector<1x16xi32>,
        %swap3A_602 = vector.shape_cast %swap3A_601 : vector<1x16xi32> to vector<16xi32>
        %swap3A_603 = vector.shape_cast %and3A_597 : vector<16xi32> to vector<1x16xi32>
        tpu.vector_store %arg7[%swap3A_599, %swap3A_600], %swap3A_603 {strides = array<i32>} : memref<2x128xi32, #tpu.memory_space<vmem>>, vector<1x16xi32>,
        %shift_right_arithmetic3A_604 = arith.constant 14 : i32
        %shift_right_arithmetic3A_605 = vector.broadcast %shift_right_arithmetic3A_604 : i32 to vector<16xi32>
        %shift_right_arithmetic3A_606 = arith.shrsi %get3A_594, %shift_right_arithmetic3A_605 : vector<16xi32>
        %swap3A_607 = arith.constant 0 : i32
        %swap3A_608 = arith.index_cast %swap3A_607 : i32 to index
        %swap3A_609 = arith.constant 48 : index
        %swap3A_610 = tpu.vector_load %arg8[%swap3A_608, %swap3A_609] {strides = array<i32>} : memref<2x128xi32, #tpu.memory_space<vmem>>, vector<1x16xi32>,
        %swap3A_611 = vector.shape_cast %swap3A_610 : vector<1x16xi32> to vector<16xi32>
        %swap3A_612 = vector.shape_cast %shift_right_arithmetic3A_606 : vector<16xi32> to vector<1x16xi32>
        tpu.vector_store %arg8[%swap3A_608, %swap3A_609], %swap3A_612 {strides = array<i32>} : memref<2x128xi32, #tpu.memory_space<vmem>>, vector<1x16xi32>,
        %get3A_613 = arith.index_cast %min3A_492 : i32 to index
        %get3A_614 = arith.constant 64 : index
        %get3A_615 = tpu.vector_load %arg6[%get3A_613, %get3A_614] {strides = array<i32>} : memref<160x128xi32, #tpu.memory_space<vmem>>, vector<1x16xi32>,
        %get3A_616 = vector.shape_cast %get3A_615 : vector<1x16xi32> to vector<16xi32>
        %and3A_617 = arith.constant 16383 : i32
        %and3A_618 = vector.broadcast %and3A_617 : i32 to vector<16xi32>
        %and3A_619 = arith.andi %get3A_616, %and3A_618 : vector<16xi32>
        %swap3A_620 = arith.constant 0 : i32
        %swap3A_621 = arith.index_cast %swap3A_620 : i32 to index
        %swap3A_622 = arith.constant 64 : index
        %swap3A_623 = tpu.vector_load %arg7[%swap3A_621, %swap3A_622] {strides = array<i32>} : memref<2x128xi32, #tpu.memory_space<vmem>>, vector<1x16xi32>,
        %swap3A_624 = vector.shape_cast %swap3A_623 : vector<1x16xi32> to vector<16xi32>
        %swap3A_625 = vector.shape_cast %and3A_619 : vector<16xi32> to vector<1x16xi32>
        tpu.vector_store %arg7[%swap3A_621, %swap3A_622], %swap3A_625 {strides = array<i32>} : memref<2x128xi32, #tpu.memory_space<vmem>>, vector<1x16xi32>,
        %shift_right_arithmetic3A_626 = arith.constant 14 : i32
        %shift_right_arithmetic3A_627 = vector.broadcast %shift_right_arithmetic3A_626 : i32 to vector<16xi32>
        %shift_right_arithmetic3A_628 = arith.shrsi %get3A_616, %shift_right_arithmetic3A_627 : vector<16xi32>
        %swap3A_629 = arith.constant 0 : i32
        %swap3A_630 = arith.index_cast %swap3A_629 : i32 to index
        %swap3A_631 = arith.constant 64 : index
        %swap3A_632 = tpu.vector_load %arg8[%swap3A_630, %swap3A_631] {strides = array<i32>} : memref<2x128xi32, #tpu.memory_space<vmem>>, vector<1x16xi32>,
        %swap3A_633 = vector.shape_cast %swap3A_632 : vector<1x16xi32> to vector<16xi32>
        %swap3A_634 = vector.shape_cast %shift_right_arithmetic3A_628 : vector<16xi32> to vector<1x16xi32>
        tpu.vector_store %arg8[%swap3A_630, %swap3A_631], %swap3A_634 {strides = array<i32>} : memref<2x128xi32, #tpu.memory_space<vmem>>, vector<1x16xi32>,
        %get3A_635 = arith.index_cast %min3A_492 : i32 to index
        %get3A_636 = arith.constant 80 : index
        %get3A_637 = tpu.vector_load %arg6[%get3A_635, %get3A_636] {strides = array<i32>} : memref<160x128xi32, #tpu.memory_space<vmem>>, vector<1x16xi32>,
        %get3A_638 = vector.shape_cast %get3A_637 : vector<1x16xi32> to vector<16xi32>
        %and3A_639 = arith.constant 16383 : i32
        %and3A_640 = vector.broadcast %and3A_639 : i32 to vector<16xi32>
        %and3A_641 = arith.andi %get3A_638, %and3A_640 : vector<16xi32>
        %swap3A_642 = arith.constant 0 : i32
        %swap3A_643 = arith.index_cast %swap3A_642 : i32 to index
        %swap3A_644 = arith.constant 80 : index
        %swap3A_645 = tpu.vector_load %arg7[%swap3A_643, %swap3A_644] {strides = array<i32>} : memref<2x128xi32, #tpu.memory_space<vmem>>, vector<1x16xi32>,
        %swap3A_646 = vector.shape_cast %swap3A_645 : vector<1x16xi32> to vector<16xi32>
        %swap3A_647 = vector.shape_cast %and3A_641 : vector<16xi32> to vector<1x16xi32>
        tpu.vector_store %arg7[%swap3A_643, %swap3A_644], %swap3A_647 {strides = array<i32>} : memref<2x128xi32, #tpu.memory_space<vmem>>, vector<1x16xi32>,
        %shift_right_arithmetic3A_648 = arith.constant 14 : i32
        %shift_right_arithmetic3A_649 = vector.broadcast %shift_right_arithmetic3A_648 : i32 to vector<16xi32>
        %shift_right_arithmetic3A_650 = arith.shrsi %get3A_638, %shift_right_arithmetic3A_649 : vector<16xi32>
        %swap3A_651 = arith.constant 0 : i32
        %swap3A_652 = arith.index_cast %swap3A_651 : i32 to index
        %swap3A_653 = arith.constant 80 : index
        %swap3A_654 = tpu.vector_load %arg8[%swap3A_652, %swap3A_653] {strides = array<i32>} : memref<2x128xi32, #tpu.memory_space<vmem>>, vector<1x16xi32>,
        %swap3A_655 = vector.shape_cast %swap3A_654 : vector<1x16xi32> to vector<16xi32>
        %swap3A_656 = vector.shape_cast %shift_right_arithmetic3A_650 : vector<16xi32> to vector<1x16xi32>
        tpu.vector_store %arg8[%swap3A_652, %swap3A_653], %swap3A_656 {strides = array<i32>} : memref<2x128xi32, #tpu.memory_space<vmem>>, vector<1x16xi32>,
        %get3A_657 = arith.index_cast %min3A_492 : i32 to index
        %get3A_658 = arith.constant 96 : index
        %get3A_659 = tpu.vector_load %arg6[%get3A_657, %get3A_658] {strides = array<i32>} : memref<160x128xi32, #tpu.memory_space<vmem>>, vector<1x16xi32>,
        %get3A_660 = vector.shape_cast %get3A_659 : vector<1x16xi32> to vector<16xi32>
        %and3A_661 = arith.constant 16383 : i32
        %and3A_662 = vector.broadcast %and3A_661 : i32 to vector<16xi32>
        %and3A_663 = arith.andi %get3A_660, %and3A_662 : vector<16xi32>
        %swap3A_664 = arith.constant 0 : i32
        %swap3A_665 = arith.index_cast %swap3A_664 : i32 to index
        %swap3A_666 = arith.constant 96 : index
        %swap3A_667 = tpu.vector_load %arg7[%swap3A_665, %swap3A_666] {strides = array<i32>} : memref<2x128xi32, #tpu.memory_space<vmem>>, vector<1x16xi32>,
        %swap3A_668 = vector.shape_cast %swap3A_667 : vector<1x16xi32> to vector<16xi32>
        %swap3A_669 = vector.shape_cast %and3A_663 : vector<16xi32> to vector<1x16xi32>
        tpu.vector_store %arg7[%swap3A_665, %swap3A_666], %swap3A_669 {strides = array<i32>} : memref<2x128xi32, #tpu.memory_space<vmem>>, vector<1x16xi32>,
        %shift_right_arithmetic3A_670 = arith.constant 14 : i32
        %shift_right_arithmetic3A_671 = vector.broadcast %shift_right_arithmetic3A_670 : i32 to vector<16xi32>
        %shift_right_arithmetic3A_672 = arith.shrsi %get3A_660, %shift_right_arithmetic3A_671 : vector<16xi32>
        %swap3A_673 = arith.constant 0 : i32
        %swap3A_674 = arith.index_cast %swap3A_673 : i32 to index
        %swap3A_675 = arith.constant 96 : index
        %swap3A_676 = tpu.vector_load %arg8[%swap3A_674, %swap3A_675] {strides = array<i32>} : memref<2x128xi32, #tpu.memory_space<vmem>>, vector<1x16xi32>,
        %swap3A_677 = vector.shape_cast %swap3A_676 : vector<1x16xi32> to vector<16xi32>
        %swap3A_678 = vector.shape_cast %shift_right_arithmetic3A_672 : vector<16xi32> to vector<1x16xi32>
        tpu.vector_store %arg8[%swap3A_674, %swap3A_675], %swap3A_678 {strides = array<i32>} : memref<2x128xi32, #tpu.memory_space<vmem>>, vector<1x16xi32>,
        %get3A_679 = arith.index_cast %min3A_492 : i32 to index
        %get3A_680 = arith.constant 112 : index
        %get3A_681 = tpu.vector_load %arg6[%get3A_679, %get3A_680] {strides = array<i32>} : memref<160x128xi32, #tpu.memory_space<vmem>>, vector<1x16xi32>,
        %get3A_682 = vector.shape_cast %get3A_681 : vector<1x16xi32> to vector<16xi32>
        %and3A_683 = arith.constant 16383 : i32
        %and3A_684 = vector.broadcast %and3A_683 : i32 to vector<16xi32>
        %and3A_685 = arith.andi %get3A_682, %and3A_684 : vector<16xi32>
        %swap3A_686 = arith.constant 0 : i32
        %swap3A_687 = arith.index_cast %swap3A_686 : i32 to index
        %swap3A_688 = arith.constant 112 : index
        %swap3A_689 = tpu.vector_load %arg7[%swap3A_687, %swap3A_688] {strides = array<i32>} : memref<2x128xi32, #tpu.memory_space<vmem>>, vector<1x16xi32>,
        %swap3A_690 = vector.shape_cast %swap3A_689 : vector<1x16xi32> to vector<16xi32>
        %swap3A_691 = vector.shape_cast %and3A_685 : vector<16xi32> to vector<1x16xi32>
        tpu.vector_store %arg7[%swap3A_687, %swap3A_688], %swap3A_691 {strides = array<i32>} : memref<2x128xi32, #tpu.memory_space<vmem>>, vector<1x16xi32>,
        %shift_right_arithmetic3A_692 = arith.constant 14 : i32
        %shift_right_arithmetic3A_693 = vector.broadcast %shift_right_arithmetic3A_692 : i32 to vector<16xi32>
        %shift_right_arithmetic3A_694 = arith.shrsi %get3A_682, %shift_right_arithmetic3A_693 : vector<16xi32>
        %swap3A_695 = arith.constant 0 : i32
        %swap3A_696 = arith.index_cast %swap3A_695 : i32 to index
        %swap3A_697 = arith.constant 112 : index
        %swap3A_698 = tpu.vector_load %arg8[%swap3A_696, %swap3A_697] {strides = array<i32>} : memref<2x128xi32, #tpu.memory_space<vmem>>, vector<1x16xi32>,
        %swap3A_699 = vector.shape_cast %swap3A_698 : vector<1x16xi32> to vector<16xi32>
        %swap3A_700 = vector.shape_cast %shift_right_arithmetic3A_694 : vector<16xi32> to vector<1x16xi32>
        tpu.vector_store %arg8[%swap3A_696, %swap3A_697], %swap3A_700 {strides = array<i32>} : memref<2x128xi32, #tpu.memory_space<vmem>>, vector<1x16xi32>,
        %dma_start3A_701 = arith.constant 0 : i32
        %dma_start3A_702 = arith.constant 0 : i32
        %dma_start3A_703 = arith.constant 0 : i32
        %dma_start3A_704 = arith.constant 0 : i32
        %dma_start3A_705 = arith.constant 0 : i32
        %dma_start3A_706 = tpu.memref_slice %arg9[%dma_start3A_702, %dma_start3A_704, %dma_start3A_705] : memref<2x128x64xf32, #tpu.memory_space<vmem>> -> memref<1x128x64xf32, #tpu.memory_space<vmem>>
        %dma_start3A_707 = tpu.memref_squeeze %dma_start3A_706 : memref<1x128x64xf32, #tpu.memory_space<vmem>> -> memref<128x64xf32, #tpu.memory_space<vmem>>
        %dma_start3A_708 = arith.constant 0 : i32
        %dma_start3A_709 = tpu.memref_slice %arg7[%dma_start3A_701, %dma_start3A_708] : memref<2x128xi32, #tpu.memory_space<vmem>> -> memref<1x128xi32, #tpu.memory_space<vmem>>
        %dma_start3A_710 = tpu.memref_squeeze %dma_start3A_709 : memref<1x128xi32, #tpu.memory_space<vmem>> -> memref<128xi32, #tpu.memory_space<vmem>>
        %dma_start3A_711 = arith.constant 0 : i32
        %dma_start3A_712 = arith.constant 0 : i32
        %dma_start3A_713 = tpu.memref_slice %arg10[%dma_start3A_711, %dma_start3A_712] : memref<10240x64xf32, #tpu.memory_space<vmem_shared>> -> memref<10240x64xf32, #tpu.memory_space<vmem_shared>>
        %dma_start3A_714 = tpu.memref_slice %arg12[%dma_start3A_703] : memref<2x!tpu.dma_semaphore, #tpu.memory_space<semaphore_mem>> -> memref<1x!tpu.dma_semaphore, #tpu.memory_space<semaphore_mem>>
        %dma_start3A_715 = tpu.memref_squeeze %dma_start3A_714 : memref<1x!tpu.dma_semaphore, #tpu.memory_space<semaphore_mem>> -> memref<!tpu.dma_semaphore, #tpu.memory_space<semaphore_mem>>
        tpu.enqueue_indirect_dma source(%dma_start3A_713 : memref<10240x64xf32, #tpu.memory_space<vmem_shared>>) target(%dma_start3A_707 : memref<128x64xf32, #tpu.memory_space<vmem>>) offsets(%dma_start3A_710 : memref<128xi32, #tpu.memory_space<vmem>>) semaphore(%dma_start3A_715 : memref<!tpu.dma_semaphore, #tpu.memory_space<semaphore_mem>>)
      } else {
      }
      %dma_wait3A_497 = arith.constant 1 : i32
      %dma_wait3A_498 = arith.constant 1 : i32
      %dma_wait3A_499 = arith.constant 1 : i32
      %dma_wait3A_500 = arith.constant 0 : i32
      %dma_wait3A_501 = arith.constant 0 : i32
      %dma_wait3A_502 = tpu.memref_slice %arg9[%dma_wait3A_497, %dma_wait3A_500, %dma_wait3A_501] : memref<2x128x64xf32, #tpu.memory_space<vmem>> -> memref<1x128x64xf32, #tpu.memory_space<vmem>>
      %dma_wait3A_503 = tpu.memref_squeeze %dma_wait3A_502 : memref<1x128x64xf32, #tpu.memory_space<vmem>> -> memref<128x64xf32, #tpu.memory_space<vmem>>
      %dma_wait3A_504 = arith.constant 0 : i32
      %dma_wait3A_505 = tpu.memref_slice %arg8[%dma_wait3A_498, %dma_wait3A_504] : memref<2x128xi32, #tpu.memory_space<vmem>> -> memref<1x128xi32, #tpu.memory_space<vmem>>
      %dma_wait3A_506 = tpu.memref_squeeze %dma_wait3A_505 : memref<1x128xi32, #tpu.memory_space<vmem>> -> memref<128xi32, #tpu.memory_space<vmem>>
      %dma_wait3A_507 = arith.constant 0 : i32
      %dma_wait3A_508 = arith.constant 0 : i32
      %dma_wait3A_509 = tpu.memref_slice %arg11[%dma_wait3A_507, %dma_wait3A_508] : memref<10240x64xf32, #tpu.memory_space<vmem_shared>> -> memref<10240x64xf32, #tpu.memory_space<vmem_shared>>
      %dma_wait3A_510 = tpu.memref_slice %arg13[%dma_wait3A_499] : memref<2x!tpu.dma_semaphore, #tpu.memory_space<semaphore_mem>> -> memref<1x!tpu.dma_semaphore, #tpu.memory_space<semaphore_mem>>
      %dma_wait3A_511 = tpu.memref_squeeze %dma_wait3A_510 : memref<1x!tpu.dma_semaphore, #tpu.memory_space<semaphore_mem>> -> memref<!tpu.dma_semaphore, #tpu.memory_space<semaphore_mem>>
      tpu.wait_indirect_dma semaphore(%dma_wait3A_511 : memref<!tpu.dma_semaphore, #tpu.memory_space<semaphore_mem>>) src(%dma_wait3A_503 : memref<128x64xf32, #tpu.memory_space<vmem>>) dst(%dma_wait3A_509 : memref<10240x64xf32, #tpu.memory_space<vmem_shared>>)
      %add3A_512 = arith.constant 2 : i32
      %add3A_513 = arith.addi %mul3A_414, %add3A_512 : i32
      %add3A_514 = arith.constant 1 : i32
      %add3A_515 = arith.addi %add3A_513, %add3A_514 : i32
      %min3A_516 = arith.constant 159 : i32
      %min3A_517 = arith.minsi %add3A_515, %min3A_516 : i32
      %add3A_518 = arith.constant 1 : i32
      %add3A_519 = arith.addi %scan3A_412, %add3A_518 : i32
      %lt3A_520 = arith.constant 80 : i32
      %lt3A_521 = arith.cmpi slt, %add3A_519, %lt3A_520 : i32
      %convert_element_type3A_522 = arith.extui %lt3A_521 : i1 to i32
      %cond3A_523 = arith.constant 0 : i32
      %cond3A_524 = arith.cmpi ne, %convert_element_type3A_522, %cond3A_523 : i32
      scf.if %cond3A_524 {
        %get3A_525 = arith.index_cast %min3A_517 : i32 to index
        %get3A_526 = arith.constant 0 : index
        %get3A_527 = tpu.vector_load %arg6[%get3A_525, %get3A_526] {strides = array<i32>} : memref<160x128xi32, #tpu.memory_space<vmem>>, vector<1x16xi32>,
        %get3A_528 = vector.shape_cast %get3A_527 : vector<1x16xi32> to vector<16xi32>
        %and3A_529 = arith.constant 16383 : i32
        %and3A_530 = vector.broadcast %and3A_529 : i32 to vector<16xi32>
        %and3A_531 = arith.andi %get3A_528, %and3A_530 : vector<16xi32>
        %swap3A_532 = arith.constant 1 : i32
        %swap3A_533 = arith.index_cast %swap3A_532 : i32 to index
        %swap3A_534 = arith.constant 0 : index
        %swap3A_535 = tpu.vector_load %arg7[%swap3A_533, %swap3A_534] {strides = array<i32>} : memref<2x128xi32, #tpu.memory_space<vmem>>, vector<1x16xi32>,
        %swap3A_536 = vector.shape_cast %swap3A_535 : vector<1x16xi32> to vector<16xi32>
        %swap3A_537 = vector.shape_cast %and3A_531 : vector<16xi32> to vector<1x16xi32>
        tpu.vector_store %arg7[%swap3A_533, %swap3A_534], %swap3A_537 {strides = array<i32>} : memref<2x128xi32, #tpu.memory_space<vmem>>, vector<1x16xi32>,
        %shift_right_arithmetic3A_538 = arith.constant 14 : i32
        %shift_right_arithmetic3A_539 = vector.broadcast %shift_right_arithmetic3A_538 : i32 to vector<16xi32>
        %shift_right_arithmetic3A_540 = arith.shrsi %get3A_528, %shift_right_arithmetic3A_539 : vector<16xi32>
        %swap3A_541 = arith.constant 1 : i32
        %swap3A_542 = arith.index_cast %swap3A_541 : i32 to index
        %swap3A_543 = arith.constant 0 : index
        %swap3A_544 = tpu.vector_load %arg8[%swap3A_542, %swap3A_543] {strides = array<i32>} : memref<2x128xi32, #tpu.memory_space<vmem>>, vector<1x16xi32>,
        %swap3A_545 = vector.shape_cast %swap3A_544 : vector<1x16xi32> to vector<16xi32>
        %swap3A_546 = vector.shape_cast %shift_right_arithmetic3A_540 : vector<16xi32> to vector<1x16xi32>
        tpu.vector_store %arg8[%swap3A_542, %swap3A_543], %swap3A_546 {strides = array<i32>} : memref<2x128xi32, #tpu.memory_space<vmem>>, vector<1x16xi32>,
        %get3A_547 = arith.index_cast %min3A_517 : i32 to index
        %get3A_548 = arith.constant 16 : index
        %get3A_549 = tpu.vector_load %arg6[%get3A_547, %get3A_548] {strides = array<i32>} : memref<160x128xi32, #tpu.memory_space<vmem>>, vector<1x16xi32>,
        %get3A_550 = vector.shape_cast %get3A_549 : vector<1x16xi32> to vector<16xi32>
        %and3A_551 = arith.constant 16383 : i32
        %and3A_552 = vector.broadcast %and3A_551 : i32 to vector<16xi32>
        %and3A_553 = arith.andi %get3A_550, %and3A_552 : vector<16xi32>
        %swap3A_554 = arith.constant 1 : i32
        %swap3A_555 = arith.index_cast %swap3A_554 : i32 to index
        %swap3A_556 = arith.constant 16 : index
        %swap3A_557 = tpu.vector_load %arg7[%swap3A_555, %swap3A_556] {strides = array<i32>} : memref<2x128xi32, #tpu.memory_space<vmem>>, vector<1x16xi32>,
        %swap3A_558 = vector.shape_cast %swap3A_557 : vector<1x16xi32> to vector<16xi32>
        %swap3A_559 = vector.shape_cast %and3A_553 : vector<16xi32> to vector<1x16xi32>
        tpu.vector_store %arg7[%swap3A_555, %swap3A_556], %swap3A_559 {strides = array<i32>} : memref<2x128xi32, #tpu.memory_space<vmem>>, vector<1x16xi32>,
        %shift_right_arithmetic3A_560 = arith.constant 14 : i32
        %shift_right_arithmetic3A_561 = vector.broadcast %shift_right_arithmetic3A_560 : i32 to vector<16xi32>
        %shift_right_arithmetic3A_562 = arith.shrsi %get3A_550, %shift_right_arithmetic3A_561 : vector<16xi32>
        %swap3A_563 = arith.constant 1 : i32
        %swap3A_564 = arith.index_cast %swap3A_563 : i32 to index
        %swap3A_565 = arith.constant 16 : index
        %swap3A_566 = tpu.vector_load %arg8[%swap3A_564, %swap3A_565] {strides = array<i32>} : memref<2x128xi32, #tpu.memory_space<vmem>>, vector<1x16xi32>,
        %swap3A_567 = vector.shape_cast %swap3A_566 : vector<1x16xi32> to vector<16xi32>
        %swap3A_568 = vector.shape_cast %shift_right_arithmetic3A_562 : vector<16xi32> to vector<1x16xi32>
        tpu.vector_store %arg8[%swap3A_564, %swap3A_565], %swap3A_568 {strides = array<i32>} : memref<2x128xi32, #tpu.memory_space<vmem>>, vector<1x16xi32>,
        %get3A_569 = arith.index_cast %min3A_517 : i32 to index
        %get3A_570 = arith.constant 32 : index
        %get3A_571 = tpu.vector_load %arg6[%get3A_569, %get3A_570] {strides = array<i32>} : memref<160x128xi32, #tpu.memory_space<vmem>>, vector<1x16xi32>,
        %get3A_572 = vector.shape_cast %get3A_571 : vector<1x16xi32> to vector<16xi32>
        %and3A_573 = arith.constant 16383 : i32
        %and3A_574 = vector.broadcast %and3A_573 : i32 to vector<16xi32>
        %and3A_575 = arith.andi %get3A_572, %and3A_574 : vector<16xi32>
        %swap3A_576 = arith.constant 1 : i32
        %swap3A_577 = arith.index_cast %swap3A_576 : i32 to index
        %swap3A_578 = arith.constant 32 : index
        %swap3A_579 = tpu.vector_load %arg7[%swap3A_577, %swap3A_578] {strides = array<i32>} : memref<2x128xi32, #tpu.memory_space<vmem>>, vector<1x16xi32>,
        %swap3A_580 = vector.shape_cast %swap3A_579 : vector<1x16xi32> to vector<16xi32>
        %swap3A_581 = vector.shape_cast %and3A_575 : vector<16xi32> to vector<1x16xi32>
        tpu.vector_store %arg7[%swap3A_577, %swap3A_578], %swap3A_581 {strides = array<i32>} : memref<2x128xi32, #tpu.memory_space<vmem>>, vector<1x16xi32>,
        %shift_right_arithmetic3A_582 = arith.constant 14 : i32
        %shift_right_arithmetic3A_583 = vector.broadcast %shift_right_arithmetic3A_582 : i32 to vector<16xi32>
        %shift_right_arithmetic3A_584 = arith.shrsi %get3A_572, %shift_right_arithmetic3A_583 : vector<16xi32>
        %swap3A_585 = arith.constant 1 : i32
        %swap3A_586 = arith.index_cast %swap3A_585 : i32 to index
        %swap3A_587 = arith.constant 32 : index
        %swap3A_588 = tpu.vector_load %arg8[%swap3A_586, %swap3A_587] {strides = array<i32>} : memref<2x128xi32, #tpu.memory_space<vmem>>, vector<1x16xi32>,
        %swap3A_589 = vector.shape_cast %swap3A_588 : vector<1x16xi32> to vector<16xi32>
        %swap3A_590 = vector.shape_cast %shift_right_arithmetic3A_584 : vector<16xi32> to vector<1x16xi32>
        tpu.vector_store %arg8[%swap3A_586, %swap3A_587], %swap3A_590 {strides = array<i32>} : memref<2x128xi32, #tpu.memory_space<vmem>>, vector<1x16xi32>,
        %get3A_591 = arith.index_cast %min3A_517 : i32 to index
        %get3A_592 = arith.constant 48 : index
        %get3A_593 = tpu.vector_load %arg6[%get3A_591, %get3A_592] {strides = array<i32>} : memref<160x128xi32, #tpu.memory_space<vmem>>, vector<1x16xi32>,
        %get3A_594 = vector.shape_cast %get3A_593 : vector<1x16xi32> to vector<16xi32>
        %and3A_595 = arith.constant 16383 : i32
        %and3A_596 = vector.broadcast %and3A_595 : i32 to vector<16xi32>
        %and3A_597 = arith.andi %get3A_594, %and3A_596 : vector<16xi32>
        %swap3A_598 = arith.constant 1 : i32
        %swap3A_599 = arith.index_cast %swap3A_598 : i32 to index
        %swap3A_600 = arith.constant 48 : index
        %swap3A_601 = tpu.vector_load %arg7[%swap3A_599, %swap3A_600] {strides = array<i32>} : memref<2x128xi32, #tpu.memory_space<vmem>>, vector<1x16xi32>,
        %swap3A_602 = vector.shape_cast %swap3A_601 : vector<1x16xi32> to vector<16xi32>
        %swap3A_603 = vector.shape_cast %and3A_597 : vector<16xi32> to vector<1x16xi32>
        tpu.vector_store %arg7[%swap3A_599, %swap3A_600], %swap3A_603 {strides = array<i32>} : memref<2x128xi32, #tpu.memory_space<vmem>>, vector<1x16xi32>,
        %shift_right_arithmetic3A_604 = arith.constant 14 : i32
        %shift_right_arithmetic3A_605 = vector.broadcast %shift_right_arithmetic3A_604 : i32 to vector<16xi32>
        %shift_right_arithmetic3A_606 = arith.shrsi %get3A_594, %shift_right_arithmetic3A_605 : vector<16xi32>
        %swap3A_607 = arith.constant 1 : i32
        %swap3A_608 = arith.index_cast %swap3A_607 : i32 to index
        %swap3A_609 = arith.constant 48 : index
        %swap3A_610 = tpu.vector_load %arg8[%swap3A_608, %swap3A_609] {strides = array<i32>} : memref<2x128xi32, #tpu.memory_space<vmem>>, vector<1x16xi32>,
        %swap3A_611 = vector.shape_cast %swap3A_610 : vector<1x16xi32> to vector<16xi32>
        %swap3A_612 = vector.shape_cast %shift_right_arithmetic3A_606 : vector<16xi32> to vector<1x16xi32>
        tpu.vector_store %arg8[%swap3A_608, %swap3A_609], %swap3A_612 {strides = array<i32>} : memref<2x128xi32, #tpu.memory_space<vmem>>, vector<1x16xi32>,
        %get3A_613 = arith.index_cast %min3A_517 : i32 to index
        %get3A_614 = arith.constant 64 : index
        %get3A_615 = tpu.vector_load %arg6[%get3A_613, %get3A_614] {strides = array<i32>} : memref<160x128xi32, #tpu.memory_space<vmem>>, vector<1x16xi32>,
        %get3A_616 = vector.shape_cast %get3A_615 : vector<1x16xi32> to vector<16xi32>
        %and3A_617 = arith.constant 16383 : i32
        %and3A_618 = vector.broadcast %and3A_617 : i32 to vector<16xi32>
        %and3A_619 = arith.andi %get3A_616, %and3A_618 : vector<16xi32>
        %swap3A_620 = arith.constant 1 : i32
        %swap3A_621 = arith.index_cast %swap3A_620 : i32 to index
        %swap3A_622 = arith.constant 64 : index
        %swap3A_623 = tpu.vector_load %arg7[%swap3A_621, %swap3A_622] {strides = array<i32>} : memref<2x128xi32, #tpu.memory_space<vmem>>, vector<1x16xi32>,
        %swap3A_624 = vector.shape_cast %swap3A_623 : vector<1x16xi32> to vector<16xi32>
        %swap3A_625 = vector.shape_cast %and3A_619 : vector<16xi32> to vector<1x16xi32>
        tpu.vector_store %arg7[%swap3A_621, %swap3A_622], %swap3A_625 {strides = array<i32>} : memref<2x128xi32, #tpu.memory_space<vmem>>, vector<1x16xi32>,
        %shift_right_arithmetic3A_626 = arith.constant 14 : i32
        %shift_right_arithmetic3A_627 = vector.broadcast %shift_right_arithmetic3A_626 : i32 to vector<16xi32>
        %shift_right_arithmetic3A_628 = arith.shrsi %get3A_616, %shift_right_arithmetic3A_627 : vector<16xi32>
        %swap3A_629 = arith.constant 1 : i32
        %swap3A_630 = arith.index_cast %swap3A_629 : i32 to index
        %swap3A_631 = arith.constant 64 : index
        %swap3A_632 = tpu.vector_load %arg8[%swap3A_630, %swap3A_631] {strides = array<i32>} : memref<2x128xi32, #tpu.memory_space<vmem>>, vector<1x16xi32>,
        %swap3A_633 = vector.shape_cast %swap3A_632 : vector<1x16xi32> to vector<16xi32>
        %swap3A_634 = vector.shape_cast %shift_right_arithmetic3A_628 : vector<16xi32> to vector<1x16xi32>
        tpu.vector_store %arg8[%swap3A_630, %swap3A_631], %swap3A_634 {strides = array<i32>} : memref<2x128xi32, #tpu.memory_space<vmem>>, vector<1x16xi32>,
        %get3A_635 = arith.index_cast %min3A_517 : i32 to index
        %get3A_636 = arith.constant 80 : index
        %get3A_637 = tpu.vector_load %arg6[%get3A_635, %get3A_636] {strides = array<i32>} : memref<160x128xi32, #tpu.memory_space<vmem>>, vector<1x16xi32>,
        %get3A_638 = vector.shape_cast %get3A_637 : vector<1x16xi32> to vector<16xi32>
        %and3A_639 = arith.constant 16383 : i32
        %and3A_640 = vector.broadcast %and3A_639 : i32 to vector<16xi32>
        %and3A_641 = arith.andi %get3A_638, %and3A_640 : vector<16xi32>
        %swap3A_642 = arith.constant 1 : i32
        %swap3A_643 = arith.index_cast %swap3A_642 : i32 to index
        %swap3A_644 = arith.constant 80 : index
        %swap3A_645 = tpu.vector_load %arg7[%swap3A_643, %swap3A_644] {strides = array<i32>} : memref<2x128xi32, #tpu.memory_space<vmem>>, vector<1x16xi32>,
        %swap3A_646 = vector.shape_cast %swap3A_645 : vector<1x16xi32> to vector<16xi32>
        %swap3A_647 = vector.shape_cast %and3A_641 : vector<16xi32> to vector<1x16xi32>
        tpu.vector_store %arg7[%swap3A_643, %swap3A_644], %swap3A_647 {strides = array<i32>} : memref<2x128xi32, #tpu.memory_space<vmem>>, vector<1x16xi32>,
        %shift_right_arithmetic3A_648 = arith.constant 14 : i32
        %shift_right_arithmetic3A_649 = vector.broadcast %shift_right_arithmetic3A_648 : i32 to vector<16xi32>
        %shift_right_arithmetic3A_650 = arith.shrsi %get3A_638, %shift_right_arithmetic3A_649 : vector<16xi32>
        %swap3A_651 = arith.constant 1 : i32
        %swap3A_652 = arith.index_cast %swap3A_651 : i32 to index
        %swap3A_653 = arith.constant 80 : index
        %swap3A_654 = tpu.vector_load %arg8[%swap3A_652, %swap3A_653] {strides = array<i32>} : memref<2x128xi32, #tpu.memory_space<vmem>>, vector<1x16xi32>,
        %swap3A_655 = vector.shape_cast %swap3A_654 : vector<1x16xi32> to vector<16xi32>
        %swap3A_656 = vector.shape_cast %shift_right_arithmetic3A_650 : vector<16xi32> to vector<1x16xi32>
        tpu.vector_store %arg8[%swap3A_652, %swap3A_653], %swap3A_656 {strides = array<i32>} : memref<2x128xi32, #tpu.memory_space<vmem>>, vector<1x16xi32>,
        %get3A_657 = arith.index_cast %min3A_517 : i32 to index
        %get3A_658 = arith.constant 96 : index
        %get3A_659 = tpu.vector_load %arg6[%get3A_657, %get3A_658] {strides = array<i32>} : memref<160x128xi32, #tpu.memory_space<vmem>>, vector<1x16xi32>,
        %get3A_660 = vector.shape_cast %get3A_659 : vector<1x16xi32> to vector<16xi32>
        %and3A_661 = arith.constant 16383 : i32
        %and3A_662 = vector.broadcast %and3A_661 : i32 to vector<16xi32>
        %and3A_663 = arith.andi %get3A_660, %and3A_662 : vector<16xi32>
        %swap3A_664 = arith.constant 1 : i32
        %swap3A_665 = arith.index_cast %swap3A_664 : i32 to index
        %swap3A_666 = arith.constant 96 : index
        %swap3A_667 = tpu.vector_load %arg7[%swap3A_665, %swap3A_666] {strides = array<i32>} : memref<2x128xi32, #tpu.memory_space<vmem>>, vector<1x16xi32>,
        %swap3A_668 = vector.shape_cast %swap3A_667 : vector<1x16xi32> to vector<16xi32>
        %swap3A_669 = vector.shape_cast %and3A_663 : vector<16xi32> to vector<1x16xi32>
        tpu.vector_store %arg7[%swap3A_665, %swap3A_666], %swap3A_669 {strides = array<i32>} : memref<2x128xi32, #tpu.memory_space<vmem>>, vector<1x16xi32>,
        %shift_right_arithmetic3A_670 = arith.constant 14 : i32
        %shift_right_arithmetic3A_671 = vector.broadcast %shift_right_arithmetic3A_670 : i32 to vector<16xi32>
        %shift_right_arithmetic3A_672 = arith.shrsi %get3A_660, %shift_right_arithmetic3A_671 : vector<16xi32>
        %swap3A_673 = arith.constant 1 : i32
        %swap3A_674 = arith.index_cast %swap3A_673 : i32 to index
        %swap3A_675 = arith.constant 96 : index
        %swap3A_676 = tpu.vector_load %arg8[%swap3A_674, %swap3A_675] {strides = array<i32>} : memref<2x128xi32, #tpu.memory_space<vmem>>, vector<1x16xi32>,
        %swap3A_677 = vector.shape_cast %swap3A_676 : vector<1x16xi32> to vector<16xi32>
        %swap3A_678 = vector.shape_cast %shift_right_arithmetic3A_672 : vector<16xi32> to vector<1x16xi32>
        tpu.vector_store %arg8[%swap3A_674, %swap3A_675], %swap3A_678 {strides = array<i32>} : memref<2x128xi32, #tpu.memory_space<vmem>>, vector<1x16xi32>,
        %get3A_679 = arith.index_cast %min3A_517 : i32 to index
        %get3A_680 = arith.constant 112 : index
        %get3A_681 = tpu.vector_load %arg6[%get3A_679, %get3A_680] {strides = array<i32>} : memref<160x128xi32, #tpu.memory_space<vmem>>, vector<1x16xi32>,
        %get3A_682 = vector.shape_cast %get3A_681 : vector<1x16xi32> to vector<16xi32>
        %and3A_683 = arith.constant 16383 : i32
        %and3A_684 = vector.broadcast %and3A_683 : i32 to vector<16xi32>
        %and3A_685 = arith.andi %get3A_682, %and3A_684 : vector<16xi32>
        %swap3A_686 = arith.constant 1 : i32
        %swap3A_687 = arith.index_cast %swap3A_686 : i32 to index
        %swap3A_688 = arith.constant 112 : index
        %swap3A_689 = tpu.vector_load %arg7[%swap3A_687, %swap3A_688] {strides = array<i32>} : memref<2x128xi32, #tpu.memory_space<vmem>>, vector<1x16xi32>,
        %swap3A_690 = vector.shape_cast %swap3A_689 : vector<1x16xi32> to vector<16xi32>
        %swap3A_691 = vector.shape_cast %and3A_685 : vector<16xi32> to vector<1x16xi32>
        tpu.vector_store %arg7[%swap3A_687, %swap3A_688], %swap3A_691 {strides = array<i32>} : memref<2x128xi32, #tpu.memory_space<vmem>>, vector<1x16xi32>,
        %shift_right_arithmetic3A_692 = arith.constant 14 : i32
        %shift_right_arithmetic3A_693 = vector.broadcast %shift_right_arithmetic3A_692 : i32 to vector<16xi32>
        %shift_right_arithmetic3A_694 = arith.shrsi %get3A_682, %shift_right_arithmetic3A_693 : vector<16xi32>
        %swap3A_695 = arith.constant 1 : i32
        %swap3A_696 = arith.index_cast %swap3A_695 : i32 to index
        %swap3A_697 = arith.constant 112 : index
        %swap3A_698 = tpu.vector_load %arg8[%swap3A_696, %swap3A_697] {strides = array<i32>} : memref<2x128xi32, #tpu.memory_space<vmem>>, vector<1x16xi32>,
        %swap3A_699 = vector.shape_cast %swap3A_698 : vector<1x16xi32> to vector<16xi32>
        %swap3A_700 = vector.shape_cast %shift_right_arithmetic3A_694 : vector<16xi32> to vector<1x16xi32>
        tpu.vector_store %arg8[%swap3A_696, %swap3A_697], %swap3A_700 {strides = array<i32>} : memref<2x128xi32, #tpu.memory_space<vmem>>, vector<1x16xi32>,
        %dma_start3A_701 = arith.constant 1 : i32
        %dma_start3A_702 = arith.constant 1 : i32
        %dma_start3A_703 = arith.constant 1 : i32
        %dma_start3A_704 = arith.constant 0 : i32
        %dma_start3A_705 = arith.constant 0 : i32
        %dma_start3A_706 = tpu.memref_slice %arg9[%dma_start3A_702, %dma_start3A_704, %dma_start3A_705] : memref<2x128x64xf32, #tpu.memory_space<vmem>> -> memref<1x128x64xf32, #tpu.memory_space<vmem>>
        %dma_start3A_707 = tpu.memref_squeeze %dma_start3A_706 : memref<1x128x64xf32, #tpu.memory_space<vmem>> -> memref<128x64xf32, #tpu.memory_space<vmem>>
        %dma_start3A_708 = arith.constant 0 : i32
        %dma_start3A_709 = tpu.memref_slice %arg7[%dma_start3A_701, %dma_start3A_708] : memref<2x128xi32, #tpu.memory_space<vmem>> -> memref<1x128xi32, #tpu.memory_space<vmem>>
        %dma_start3A_710 = tpu.memref_squeeze %dma_start3A_709 : memref<1x128xi32, #tpu.memory_space<vmem>> -> memref<128xi32, #tpu.memory_space<vmem>>
        %dma_start3A_711 = arith.constant 0 : i32
        %dma_start3A_712 = arith.constant 0 : i32
        %dma_start3A_713 = tpu.memref_slice %arg10[%dma_start3A_711, %dma_start3A_712] : memref<10240x64xf32, #tpu.memory_space<vmem_shared>> -> memref<10240x64xf32, #tpu.memory_space<vmem_shared>>
        %dma_start3A_714 = tpu.memref_slice %arg12[%dma_start3A_703] : memref<2x!tpu.dma_semaphore, #tpu.memory_space<semaphore_mem>> -> memref<1x!tpu.dma_semaphore, #tpu.memory_space<semaphore_mem>>
        %dma_start3A_715 = tpu.memref_squeeze %dma_start3A_714 : memref<1x!tpu.dma_semaphore, #tpu.memory_space<semaphore_mem>> -> memref<!tpu.dma_semaphore, #tpu.memory_space<semaphore_mem>>
        tpu.enqueue_indirect_dma source(%dma_start3A_713 : memref<10240x64xf32, #tpu.memory_space<vmem_shared>>) target(%dma_start3A_707 : memref<128x64xf32, #tpu.memory_space<vmem>>) offsets(%dma_start3A_710 : memref<128xi32, #tpu.memory_space<vmem>>) semaphore(%dma_start3A_715 : memref<!tpu.dma_semaphore, #tpu.memory_space<semaphore_mem>>)
      } else {
      }
    }
    %scan3A_406 = arith.constant 80 : i32
    %barrier3A_407 = arith.constant 0 : index
    tpu.barrier barrier_id(%barrier3A_407)
    %mul3A_408 = arith.constant 640 : i32
    %mul3A_409 = arith.muli %arg1, %mul3A_408 : i32
    %mul3A_410 = arith.constant 640 : i32
    %mul3A_411 = arith.muli %arg1, %mul3A_410 : i32
    "tpu.region"() ({
      %run_scoped3A = tpu.sem_alloc : memref<!tpu.dma_semaphore, #tpu.memory_space<semaphore_mem>>
      %dma_start3A_412 = arith.constant 0 : i32
      %dma_start3A_413 = tpu.memref_slice %arg5[%arg0, %mul3A_411, %dma_start3A_412] : memref<2x10240x64xf32, #tpu.memory_space<hbm>> -> memref<1x640x64xf32, #tpu.memory_space<hbm>>
      %dma_start3A_414 = tpu.memref_squeeze %dma_start3A_413 : memref<1x640x64xf32, #tpu.memory_space<hbm>> -> memref<640x64xf32, #tpu.memory_space<hbm>>
      %dma_start3A_415 = arith.constant 0 : i32
      %dma_start3A_416 = tpu.memref_slice %arg11[%mul3A_409, %dma_start3A_415] : memref<10240x64xf32, #tpu.memory_space<vmem_shared>> -> memref<640x64xf32, #tpu.memory_space<vmem_shared>>
      tpu.enqueue_dma source(%dma_start3A_416 : memref<640x64xf32, #tpu.memory_space<vmem_shared>>) target(%dma_start3A_414 : memref<640x64xf32, #tpu.memory_space<hbm>>) target_semaphore(%run_scoped3A : memref<!tpu.dma_semaphore, #tpu.memory_space<semaphore_mem>>)
      %dma_wait3A = arith.constant 0 : i32
      %dma_wait3A_417 = tpu.memref_slice %arg5[%arg0, %mul3A_411, %dma_wait3A] : memref<2x10240x64xf32, #tpu.memory_space<hbm>> -> memref<1x640x64xf32, #tpu.memory_space<hbm>>
      %dma_wait3A_418 = tpu.memref_squeeze %dma_wait3A_417 : memref<1x640x64xf32, #tpu.memory_space<hbm>> -> memref<640x64xf32, #tpu.memory_space<hbm>>
      %dma_wait3A_419 = arith.constant 0 : i32
      %dma_wait3A_420 = tpu.memref_slice %arg11[%mul3A_409, %dma_wait3A_419] : memref<10240x64xf32, #tpu.memory_space<vmem_shared>> -> memref<640x64xf32, #tpu.memory_space<vmem_shared>>
      tpu.wait_dma2 semaphore(%run_scoped3A : memref<!tpu.dma_semaphore, #tpu.memory_space<semaphore_mem>>) src(%dma_wait3A_420 : memref<640x64xf32, #tpu.memory_space<vmem_shared>>) dst(%dma_wait3A_418 : memref<640x64xf32, #tpu.memory_space<hbm>>)
      tpu.yield
    }) : () -> ()
    return
  }
}

module attributes {stable_mosaic.version = 14 : i64} {
  func.func @_mm_body(%arg0: memref<10000x128xf32, #tpu.memory_space<vmem>>, %arg1: memref<128x128xf32, #tpu.memory_space<vmem>>, %arg2: memref<10000x128xf32, #tpu.memory_space<vmem>>) attributes {dimension_semantics = [], scalar_prefetch = 0 : i64, scratch_operands = 0 : i64, tpu.core_type = #tpu.core_type<tc>} {
    %get3A = arith.constant 0 : index
    %get3A_0 = arith.constant 0 : index
    %get3A_1 = vector.load %arg0[%get3A, %get3A_0] : memref<10000x128xf32, #tpu.memory_space<vmem>>, vector<10000x128xf32>
    %get3A_2 = arith.constant 0 : index
    %get3A_3 = arith.constant 0 : index
    %get3A_4 = vector.load %arg1[%get3A_2, %get3A_3] : memref<128x128xf32, #tpu.memory_space<vmem>>, vector<128x128xf32>
    %dot_general3A = arith.constant dense<0.000000e+00> : vector<10000x128xf32>
    %dot_general3A_5 = tpu.matmul %get3A_1, %get3A_4, %dot_general3A {dimension_numbers = #tpu.dot_dimension_numbers<[1], [0], [0], [1], [0, 0, 1, 1], [], []>, transpose_lhs_hint = false} : vector<10000x128xf32>, vector<128x128xf32>, vector<10000x128xf32> -> vector<10000x128xf32>
    %swap3A = arith.constant 0 : index
    %swap3A_6 = arith.constant 0 : index
    %swap3A_7 = vector.load %arg2[%swap3A, %swap3A_6] : memref<10000x128xf32, #tpu.memory_space<vmem>>, vector<10000x128xf32>
    tpu.vector_store %arg2[%swap3A, %swap3A_6], %dot_general3A_5 {strides = array<i32>} : memref<10000x128xf32, #tpu.memory_space<vmem>>, vector<10000x128xf32>,
    return
  }
}

module attributes {stable_mosaic.version = 14 : i64} {
  func.func @_scale_body(%arg0: i32, %arg1: memref<1000x128xf32, #tpu.memory_space<vmem>>, %arg2: memref<1000x2xf32, #tpu.memory_space<vmem>>, %arg3: memref<2x1000x64xf32, #tpu.memory_space<vmem>>, %arg4: memref<1000x1xf32, #tpu.memory_space<vmem>>) attributes {dimension_semantics = [#tpu.dimension_semantics<arbitrary>], iteration_bounds = array<i64: 10>, scalar_prefetch = 0 : i64, scratch_operands = 0 : i64, tpu.core_type = #tpu.core_type<tc>, window_params = [{transform_indices = @transform_0, window_bounds = array<i64: 1000, 128>}, {transform_indices = @transform_1, window_bounds = array<i64: 1000, 2>}, {transform_indices = @transform_2, window_bounds = array<i64: 2, 1000, 64>}, {transform_indices = @transform_3, window_bounds = array<i64: 1000, 1>}]} {
    %get3A = arith.constant 0 : index
    %get3A_0 = arith.constant 0 : index
    %get3A_1 = vector.load %arg2[%get3A, %get3A_0] : memref<1000x2xf32, #tpu.memory_space<vmem>>, vector<1000x1xf32>
    %get3A_2 = arith.constant 0 : index
    %get3A_3 = arith.constant 1 : index
    %get3A_4 = vector.load %arg2[%get3A_2, %get3A_3] : memref<1000x2xf32, #tpu.memory_space<vmem>>, vector<1000x1xf32>
    %add3A = arith.addf %get3A_1, %get3A_4 : vector<1000x1xf32>
    %add3A_5 = arith.constant 1.000000e+00 : f32
    %add3A_6 = vector.broadcast %add3A_5 : f32 to vector<1000x1xf32>
    %add3A_7 = arith.addf %add3A, %add3A_6 : vector<1000x1xf32>
    %rsqrt3A = math.rsqrt %add3A_7 : vector<1000x1xf32>
    %get3A_8 = arith.constant 0 : index
    %get3A_9 = arith.constant 0 : index
    %get3A_10 = vector.load %arg1[%get3A_8, %get3A_9] : memref<1000x128xf32, #tpu.memory_space<vmem>>, vector<1000x128xf32>
    %mul3A = vector.broadcast %rsqrt3A : vector<1000x1xf32> to vector<1000x128xf32>
    %mul3A_11 = arith.mulf %get3A_10, %mul3A : vector<1000x128xf32>
    %slice3A = vector.extract_strided_slice %mul3A_11 {offsets = [0, 0], sizes = [1000, 64], strides = [1, 1]} : vector<1000x128xf32> to vector<1000x64xf32>
    %swap3A = arith.constant 0 : index
    %swap3A_12 = arith.constant 0 : index
    %swap3A_13 = arith.constant 0 : index
    %swap3A_14 = vector.load %arg3[%swap3A, %swap3A_12, %swap3A_13] : memref<2x1000x64xf32, #tpu.memory_space<vmem>>, vector<1x1000x64xf32>
    %swap3A_15 = vector.shape_cast %swap3A_14 : vector<1x1000x64xf32> to vector<1000x64xf32>
    %swap3A_16 = vector.shape_cast %slice3A : vector<1000x64xf32> to vector<1x1000x64xf32>
    tpu.vector_store %arg3[%swap3A, %swap3A_12, %swap3A_13], %swap3A_16 {strides = array<i32>} : memref<2x1000x64xf32, #tpu.memory_space<vmem>>, vector<1x1000x64xf32>,
    %slice3A_17 = vector.extract_strided_slice %mul3A_11 {offsets = [0, 64], sizes = [1000, 64], strides = [1, 1]} : vector<1000x128xf32> to vector<1000x64xf32>
    %swap3A_18 = arith.constant 1 : index
    %swap3A_19 = arith.constant 0 : index
    %swap3A_20 = arith.constant 0 : index
    %swap3A_21 = vector.load %arg3[%swap3A_18, %swap3A_19, %swap3A_20] : memref<2x1000x64xf32, #tpu.memory_space<vmem>>, vector<1x1000x64xf32>
    %swap3A_22 = vector.shape_cast %swap3A_21 : vector<1x1000x64xf32> to vector<1000x64xf32>
    %swap3A_23 = vector.shape_cast %slice3A_17 : vector<1000x64xf32> to vector<1x1000x64xf32>
    tpu.vector_store %arg3[%swap3A_18, %swap3A_19, %swap3A_20], %swap3A_23 {strides = array<i32>} : memref<2x1000x64xf32, #tpu.memory_space<vmem>>, vector<1x1000x64xf32>,
    %swap3A_24 = arith.constant 0 : index
    %swap3A_25 = arith.constant 0 : index
    %swap3A_26 = vector.load %arg4[%swap3A_24, %swap3A_25] : memref<1000x1xf32, #tpu.memory_space<vmem>>, vector<1000x1xf32>
    tpu.vector_store %arg4[%swap3A_24, %swap3A_25], %rsqrt3A {strides = array<i32>} : memref<1000x1xf32, #tpu.memory_space<vmem>>, vector<1000x1xf32>,
    return
  }
  func.func @transform_0(%arg0: i32) -> (i32, i32) {
    %c0_i32 = arith.constant 0 : i32
    %c0_i32_0 = arith.constant 0 : i32
    return %arg0, %c0_i32 : i32, i32
  }
  func.func @transform_1(%arg0: i32) -> (i32, i32) {
    %c0_i32 = arith.constant 0 : i32
    %c0_i32_0 = arith.constant 0 : i32
    return %arg0, %c0_i32 : i32, i32
  }
  func.func @transform_2(%arg0: i32) -> (i32, i32, i32) {
    %c0_i32 = arith.constant 0 : i32
    %c0_i32_0 = arith.constant 0 : i32
    %c0_i32_1 = arith.constant 0 : i32
    return %c0_i32, %arg0, %c0_i32_0 : i32, i32, i32
  }
  func.func @transform_3(%arg0: i32) -> (i32, i32) {
    %c0_i32 = arith.constant 0 : i32
    %c0_i32_0 = arith.constant 0 : i32
    return %arg0, %c0_i32 : i32, i32
  }
}

module attributes {stable_mosaic.version = 14 : i64} {
  func.func @_epilogue_body(%arg0: i32, %arg1: memref<2x1000x64xf32, #tpu.memory_space<vmem>>, %arg2: memref<1000x128xf32, #tpu.memory_space<vmem>>, %arg3: memref<1000x1xf32, #tpu.memory_space<vmem>>, %arg4: memref<1000x128xf32, #tpu.memory_space<vmem>>, %arg5: memref<1x128xf32, #tpu.memory_space<vmem>>, %arg6: memref<1x128xf32, #tpu.memory_space<vmem>>, %arg7: memref<1x128xf32, #tpu.memory_space<vmem>>, %arg8: memref<1000x128xf32, #tpu.memory_space<vmem>>) attributes {dimension_semantics = [#tpu.dimension_semantics<arbitrary>], iteration_bounds = array<i64: 10>, scalar_prefetch = 0 : i64, scratch_operands = 0 : i64, tpu.core_type = #tpu.core_type<tc>, window_params = [{transform_indices = @transform_0, window_bounds = array<i64: 2, 1000, 64>}, {transform_indices = @transform_1, window_bounds = array<i64: 1000, 128>}, {transform_indices = @transform_2, window_bounds = array<i64: 1000, 1>}, {transform_indices = @transform_3, window_bounds = array<i64: 1000, 128>}, {pipeline_mode = #tpu.pipeline_mode<synchronous>, transform_indices = @transform_4, window_bounds = array<i64: 1, 128>}, {pipeline_mode = #tpu.pipeline_mode<synchronous>, transform_indices = @transform_5, window_bounds = array<i64: 1, 128>}, {pipeline_mode = #tpu.pipeline_mode<synchronous>, transform_indices = @transform_6, window_bounds = array<i64: 1, 128>}, {transform_indices = @transform_7, window_bounds = array<i64: 1000, 128>}]} {
    %get3A = arith.constant 0 : index
    %get3A_0 = arith.constant 0 : index
    %get3A_1 = arith.constant 0 : index
    %get3A_2 = vector.load %arg1[%get3A, %get3A_0, %get3A_1] : memref<2x1000x64xf32, #tpu.memory_space<vmem>>, vector<1x1000x64xf32>
    %get3A_3 = vector.shape_cast %get3A_2 : vector<1x1000x64xf32> to vector<1000x64xf32>
    %get3A_4 = arith.constant 1 : index
    %get3A_5 = arith.constant 0 : index
    %get3A_6 = arith.constant 0 : index
    %get3A_7 = vector.load %arg1[%get3A_4, %get3A_5, %get3A_6] : memref<2x1000x64xf32, #tpu.memory_space<vmem>>, vector<1x1000x64xf32>
    %get3A_8 = vector.shape_cast %get3A_7 : vector<1x1000x64xf32> to vector<1000x64xf32>
    %concatenate3A = tpu.concatenate %get3A_3, %get3A_8 in 1 : vector<1000x64xf32>, vector<1000x64xf32> -> vector<1000x128xf32>
    %get3A_9 = arith.constant 0 : index
    %get3A_10 = arith.constant 0 : index
    %get3A_11 = vector.load %arg3[%get3A_9, %get3A_10] : memref<1000x1xf32, #tpu.memory_space<vmem>>, vector<1000x1xf32>
    %get3A_12 = arith.constant 0 : index
    %get3A_13 = arith.constant 0 : index
    %get3A_14 = vector.load %arg2[%get3A_12, %get3A_13] : memref<1000x128xf32, #tpu.memory_space<vmem>>, vector<1000x128xf32>
    %mul3A = vector.broadcast %get3A_11 : vector<1000x1xf32> to vector<1000x128xf32>
    %mul3A_15 = arith.mulf %get3A_14, %mul3A : vector<1000x128xf32>
    %add3A = arith.addf %concatenate3A, %mul3A_15 : vector<1000x128xf32>
    %mul3A_16 = vector.broadcast %get3A_11 : vector<1000x1xf32> to vector<1000x128xf32>
    %mul3A_17 = arith.mulf %add3A, %mul3A_16 : vector<1000x128xf32>
    %get3A_18 = arith.constant 0 : index
    %get3A_19 = arith.constant 0 : index
    %get3A_20 = vector.load %arg5[%get3A_18, %get3A_19] : memref<1x128xf32, #tpu.memory_space<vmem>>, vector<1x128xf32>
    %add3A_21 = vector.broadcast %get3A_20 : vector<1x128xf32> to vector<1000x128xf32>
    %add3A_22 = arith.addf %mul3A_17, %add3A_21 : vector<1000x128xf32>
    %reduce_sum3A = arith.constant dense<0.000000e+00> : vector<1000xf32>
    %reduce_sum3A_23 = vector.multi_reduction <add>, %add3A_22, %reduce_sum3A [1] : vector<1000x128xf32> to vector<1000xf32>
    %broadcast_in_dim3A = vector.shape_cast %reduce_sum3A_23 : vector<1000xf32> to vector<1000x1xf32>
    %div3A = arith.constant 1.280000e+02 : f32
    %div3A_24 = vector.broadcast %div3A : f32 to vector<1000x1xf32>
    %div3A_25 = arith.divf %broadcast_in_dim3A, %div3A_24 : vector<1000x1xf32>
    %sub3A = vector.broadcast %div3A_25 : vector<1000x1xf32> to vector<1000x128xf32>
    %sub3A_26 = arith.subf %add3A_22, %sub3A : vector<1000x128xf32>
    %mul3A_27 = arith.mulf %sub3A_26, %sub3A_26 : vector<1000x128xf32>
    %reduce_sum3A_28 = arith.constant dense<0.000000e+00> : vector<1000xf32>
    %reduce_sum3A_29 = vector.multi_reduction <add>, %mul3A_27, %reduce_sum3A_28 [1] : vector<1000x128xf32> to vector<1000xf32>
    %broadcast_in_dim3A_30 = vector.shape_cast %reduce_sum3A_29 : vector<1000xf32> to vector<1000x1xf32>
    %div3A_31 = arith.constant 1.280000e+02 : f32
    %div3A_32 = vector.broadcast %div3A_31 : f32 to vector<1000x1xf32>
    %div3A_33 = arith.divf %broadcast_in_dim3A_30, %div3A_32 : vector<1000x1xf32>
    %add3A_34 = arith.constant 9.99999974E-6 : f32
    %add3A_35 = vector.broadcast %add3A_34 : f32 to vector<1000x1xf32>
    %add3A_36 = arith.addf %div3A_33, %add3A_35 : vector<1000x1xf32>
    %rsqrt3A = math.rsqrt %add3A_36 : vector<1000x1xf32>
    %mul3A_37 = vector.broadcast %rsqrt3A : vector<1000x1xf32> to vector<1000x128xf32>
    %mul3A_38 = arith.mulf %sub3A_26, %mul3A_37 : vector<1000x128xf32>
    %get3A_39 = arith.constant 0 : index
    %get3A_40 = arith.constant 0 : index
    %get3A_41 = vector.load %arg6[%get3A_39, %get3A_40] : memref<1x128xf32, #tpu.memory_space<vmem>>, vector<1x128xf32>
    %mul3A_42 = vector.broadcast %get3A_41 : vector<1x128xf32> to vector<1000x128xf32>
    %mul3A_43 = arith.mulf %mul3A_38, %mul3A_42 : vector<1000x128xf32>
    %get3A_44 = arith.constant 0 : index
    %get3A_45 = arith.constant 0 : index
    %get3A_46 = vector.load %arg7[%get3A_44, %get3A_45] : memref<1x128xf32, #tpu.memory_space<vmem>>, vector<1x128xf32>
    %add3A_47 = vector.broadcast %get3A_46 : vector<1x128xf32> to vector<1000x128xf32>
    %add3A_48 = arith.addf %mul3A_43, %add3A_47 : vector<1000x128xf32>
    %get3A_49 = arith.constant 0 : index
    %get3A_50 = arith.constant 0 : index
    %get3A_51 = vector.load %arg4[%get3A_49, %get3A_50] : memref<1000x128xf32, #tpu.memory_space<vmem>>, vector<1000x128xf32>
    %add3A_52 = arith.addf %add3A_48, %get3A_51 : vector<1000x128xf32>
    %neg3A = arith.constant 0.000000e+00 : f32
    %neg3A_53 = vector.broadcast %neg3A : f32 to vector<1000x128xf32>
    %neg3A_54 = arith.subf %neg3A_53, %add3A_52 : vector<1000x128xf32>
    %exp3A = math.exp %neg3A_54 : vector<1000x128xf32>
    %add3A_55 = arith.constant 1.000000e+00 : f32
    %add3A_56 = vector.broadcast %add3A_55 : f32 to vector<1000x128xf32>
    %add3A_57 = arith.addf %add3A_56, %exp3A : vector<1000x128xf32>
    %div3A_58 = arith.constant 1.000000e+00 : f32
    %div3A_59 = vector.broadcast %div3A_58 : f32 to vector<1000x128xf32>
    %div3A_60 = arith.divf %div3A_59, %add3A_57 : vector<1000x128xf32>
    %mul3A_61 = arith.mulf %add3A_52, %div3A_60 : vector<1000x128xf32>
    %swap3A = arith.constant 0 : index
    %swap3A_62 = arith.constant 0 : index
    %swap3A_63 = vector.load %arg8[%swap3A, %swap3A_62] : memref<1000x128xf32, #tpu.memory_space<vmem>>, vector<1000x128xf32>
    tpu.vector_store %arg8[%swap3A, %swap3A_62], %mul3A_61 {strides = array<i32>} : memref<1000x128xf32, #tpu.memory_space<vmem>>, vector<1000x128xf32>,
    return
  }
  func.func @transform_0(%arg0: i32) -> (i32, i32, i32) {
    %c0_i32 = arith.constant 0 : i32
    %c0_i32_0 = arith.constant 0 : i32
    %c0_i32_1 = arith.constant 0 : i32
    return %c0_i32, %arg0, %c0_i32_0 : i32, i32, i32
  }
  func.func @transform_1(%arg0: i32) -> (i32, i32) {
    %c0_i32 = arith.constant 0 : i32
    %c0_i32_0 = arith.constant 0 : i32
    return %arg0, %c0_i32 : i32, i32
  }
  func.func @transform_2(%arg0: i32) -> (i32, i32) {
    %c0_i32 = arith.constant 0 : i32
    %c0_i32_0 = arith.constant 0 : i32
    return %arg0, %c0_i32 : i32, i32
  }
  func.func @transform_3(%arg0: i32) -> (i32, i32) {
    %c0_i32 = arith.constant 0 : i32
    %c0_i32_0 = arith.constant 0 : i32
    return %arg0, %c0_i32 : i32, i32
  }
  func.func @transform_4(%arg0: i32) -> (i32, i32) {
    %c0_i32 = arith.constant 0 : i32
    %c0_i32_0 = arith.constant 0 : i32
    %c0_i32_1 = arith.constant 0 : i32
    return %c0_i32, %c0_i32_0 : i32, i32
  }
  func.func @transform_5(%arg0: i32) -> (i32, i32) {
    %c0_i32 = arith.constant 0 : i32
    %c0_i32_0 = arith.constant 0 : i32
    %c0_i32_1 = arith.constant 0 : i32
    return %c0_i32, %c0_i32_0 : i32, i32
  }
  func.func @transform_6(%arg0: i32) -> (i32, i32) {
    %c0_i32 = arith.constant 0 : i32
    %c0_i32_0 = arith.constant 0 : i32
    %c0_i32_1 = arith.constant 0 : i32
    return %c0_i32, %c0_i32_0 : i32, i32
  }
  func.func @transform_7(%arg0: i32) -> (i32, i32) {
    %c0_i32 = arith.constant 0 : i32
    %c0_i32_0 = arith.constant 0 : i32
    return %arg0, %c0_i32 : i32, i32
  }
}

</mosaic_0001>

<sc_bundles>
// kernel: kernel.10.cloned.1.call-start
scs
__scs_entry_jumppad:
0x0: {  	(pc) =	sbr.rel $0x88, $3  }
0x1: {  	(tag) =	ssettag $0x0;
	lr =	simm.s32 $0x1  }
0x2: {  	[smem:$0x3F9B] =	sst lr;
	_ =	strace $0xD0000000  }
0x3: {  	_ = 	snop  }
0x4: {  	_ = 	snop  }
0x5: {  	_ = 	snop  }
0x6: {  	_ = 	snop  }
0x7: {  	_ = 	snop  }
__scs_overlays_trampoline_lowered:
0x8: {  	[smem:$0x3FAA] =	sst s0  }
0x9: {  	[smem:$0x3FAB] =	sst s1  }
0xa: {  	[smem:$0x3FAC] =	sst s2  }
0xb: {  	[smem:$0x3FAD] =	sst s3  }
0xc: {  	[smem:$0x3FAE] =	sst s4  }
0xd: {  	[smem:$0x3FAF] =	sst s5  }
0xe: {  	[smem:$0x3FB0] =	sst s6  }
0xf: {  	[smem:$0x3FB1] =	sst s7  }
0x10: {  	[smem:$0x3FB2] =	sst s8  }
0x11: {  	[smem:$0x3FB3] =	sst s9;
	s0 =	simm.s32 @!p0 $0x0  }
0x12: {  	s1 =	sld [smem:$0x3F99];
	s0 =	simm.s32 @p0 $0x1  }
0x13: {  	[smem:$0x3FB4] =	sst s0;
	s0 =	simm.s32 @!p1 $0x0  }
0x14: {  	s2 =	sld [smem:$0x3F98];
	s0 =	simm.s32 @p1 $0x1  }
0x15: {  	[smem:$0x3FB5] =	sst s0;
	s0 =	simm.s32 @!p2 $0x0  }
0x16: {  	s3 =	sld [smem:$0x3FDB];
	s0 =	simm.s32 @p2 $0x1  }
0x17: {  	s4 =	simm.s32 $0x1BF5;
	[smem:$0x3FB7] =	sst s0  }
0x18: {  	s0 =	sld [smem:$0x3F9A];
	_ =	swait.ge [sflag:s4], $0x0  }
0x19: {  	s7 =	sld [smem:$0x3F9B]  }
0x1a: {  	s8 =	sadd.s32 $0xFFFFE003, lr  }
0x1b: {  	s9 =	sadd.s32 $0xFFFFFEF7, lr;
	s5 =	simm.s32 $0xFFFFFFFF;
	p2 =	slt.u32 s8, $0xFFFFF086  }
0x1c: {  	p1 =	slt.u32 s9, $0xF7A;
	s5 =	simm.s32 @!p2 $0x0  }
0x1d: {  	s5 =	simm.s32 @p1 $0x1;
	p0 =	seq.s32 s7, s2  }
0x1e: {  	s7 =	smul.u32 @!p0 $0xF7A, s2;
	p2 =	seq.s32 @!p0 s5, $0x0  }
0x1f: {  	s9 =	smul.u32 $0xF7A, s1;
	s8 =	simm.s32 @!p0 $0x1BF5;
	p2 =	por !p2, p0  }
0x20: {  	[sflag:s8] =	ssyncset.s32 @!p0 $0xFFFFF086;
	s6 =	sadd.s32 @!p0 s3, s7;
	s7 =	simm.s32 @!p0 $0x108  }
0x21: {  	s3 =	sadd.s32 s3, s9;
	s6 =	sadd.s32 @!p0 $0x88, s6;
	s7 =	simm.s32 @p2 $0x1082  }
0x22: {  	[simem:s7], [sflag:s8] =	dma.local @!p0 [hbm:s6], $0xF7A  }
0x23: {  	s9 =	sor.u32 $0xD0000000, s2;
	s6 =	simm.s32 $0x108;
	_ =	swait.ge @!p0 [sflag:s8], $0x0  }
0x24: {  	s3 =	sadd.s32 $0x88, s3;
	s6 =	simm.s32 @!p1 $0x1082;
	[sflag:s4] =	ssyncset.s32 $0xFFFFF086  }
0x25: {  	[simem:s6], [sflag:s4] =	dma.local [hbm:s3], $0xF7A  }
0x26: {  	[smem:$0x3F9B] =	sst s1;
	(tag) =	ssettag s2;
	_ =	strace s9  }
0x27: {  	s1 =	sld [smem:$0x3FAB]  }
0x28: {  	s2 =	sld [smem:$0x3FAC]  }
0x29: {  	s4 =	sld [smem:$0x3FAE]  }
0x2a: {  	p0 =	seq.s32 s5, $0x0;
	s5 =	sld [smem:$0x3FAF]  }
0x2b: {  	s6 =	sld [smem:$0x3FB0]  }
0x2c: {  	s7 =	sld [smem:$0x3FB1]  }
0x2d: {  	s3 =	simm.s32 $0x108;
	s8 =	sld [smem:$0x3FB2]  }
0x2e: {  	s3 =	simm.s32 @!p0 $0x1082;
	s9 =	sld [smem:$0x3FB3]  }
0x2f: {  	lr =	sadd.s32 s0, s3;
	s0 =	sld [smem:$0x3FAA]  }
0x30: {  	s3 =	sld [smem:$0x3FAD]  }
0x31: {  	[smem:$0x3FB6] =	sst s10  }
0x32: {  	s10 =	sld [smem:$0x3FB4];
	_ =	sdelay $0x3  }
0x33: {  	p0 =	seq.s32 s10, $0x1;
	s10 =	sld [smem:$0x3FB6];
	_ =	sdelay $0x3  }
0x34: {  	[smem:$0x3FB6] =	sst s10  }
0x35: {  	s10 =	sld [smem:$0x3FB5];
	_ =	sdelay $0x3  }
0x36: {  	p1 =	seq.s32 s10, $0x1;
	s10 =	sld [smem:$0x3FB6];
	_ =	sdelay $0x3  }
0x37: {  	[smem:$0x3FB6] =	sst s10  }
0x38: {  	s10 =	sld [smem:$0x3FB7]  }
0x39: {  	_ = 	snop;
	(pc) =	sbr.ind lr, $3  }
0x3a: {  	_ = 	snop  }
0x3b: {  	_ = 	snop  }
0x3c: {  	p2 =	seq.s32 s10, $0x1;
	s10 =	sld [smem:$0x3FB6]  }
0x3d: {  	_ =	shalt  }
0x3e: {  	_ =	shalt  }
0x3f: {  	_ =	shalt  }
0x40: {  	_ =	shalt  }
0x41: {  	_ =	shalt  }
0x42: {  	_ =	shalt  }
0x43: {  	_ =	shalt  }
0x44: {  	_ =	shalt  }
0x45: {  	_ =	shalt  }
0x46: {  	_ =	shalt  }
0x47: {  	_ =	shalt  }
0x48: {  	_ =	shalt  }
0x49: {  	_ =	shalt  }
0x4a: {  	_ =	shalt  }
0x4b: {  	_ =	shalt  }
0x4c: {  	_ =	shalt  }
0x4d: {  	_ =	shalt  }
0x4e: {  	_ =	shalt  }
0x4f: {  	_ =	shalt  }
0x50: {  	_ =	shalt  }
0x51: {  	_ =	shalt  }
0x52: {  	_ =	shalt  }
0x53: {  	_ =	shalt  }
0x54: {  	_ =	shalt  }
0x55: {  	_ =	shalt  }
0x56: {  	_ =	shalt  }
0x57: {  	_ =	shalt  }
0x58: {  	_ =	shalt  }
0x59: {  	_ =	shalt  }
0x5a: {  	_ =	shalt  }
0x5b: {  	_ =	shalt  }
0x5c: {  	_ =	shalt  }
0x5d: {  	_ =	shalt  }
0x5e: {  	_ =	shalt  }
0x5f: {  	_ =	shalt  }
0x60: {  	_ =	shalt  }
0x61: {  	_ =	shalt  }
0x62: {  	_ =	shalt  }
0x63: {  	_ =	shalt  }
0x64: {  	_ =	shalt  }
0x65: {  	_ =	shalt  }
0x66: {  	_ =	shalt  }
0x67: {  	_ =	shalt  }
0x68: {  	_ =	shalt  }
0x69: {  	_ =	shalt  }
0x6a: {  	_ =	shalt  }
0x6b: {  	_ =	shalt  }
0x6c: {  	_ =	shalt  }
0x6d: {  	_ =	shalt  }
0x6e: {  	_ =	shalt  }
0x6f: {  	_ =	shalt  }
0x70: {  	_ =	shalt  }
0x71: {  	_ =	shalt  }
0x72: {  	_ =	shalt  }
0x73: {  	_ =	shalt  }
0x74: {  	_ =	shalt  }
0x75: {  	_ =	shalt  }
0x76: {  	_ =	shalt  }
0x77: {  	_ =	shalt  }
0x78: {  	_ =	shalt  }
0x79: {  	_ =	shalt  }
0x7a: {  	_ =	shalt  }
0x7b: {  	_ =	shalt  }
0x7c: {  	_ =	shalt  }
0x7d: {  	_ =	shalt  }
0x7e: {  	_ =	shalt  }
0x7f: {  	_ =	shalt  }
0x80: {  	_ =	shalt  }
0x81: {  	_ =	shalt  }
0x82: {  	_ =	shalt  }
0x83: {  	_ =	shalt  }
0x84: {  	_ =	shalt  }
0x85: {  	_ =	shalt  }
0x86: {  	_ =	shalt  }
0x87: {  	_ =	shalt  }
.Lfunc_end0:
.L_simem_size_0:
called_computation.1_lowered:
.L_overlay_start_0:
0x88: {  	s2 =	sld [smem:$0x3FD9]  }
0x89: {  	s3 =	sld [smem:$0x3FFE];
	_ =	sdelay $0x1  }
0x8a: {  	s1 =	srdreg.scid  }
0x8b: {  	s0 =	sand.u32 $0x1, s1  }
0x8c: {  	s17 =	sshll.u32 s0, $0xA;
	s2 =	sadd.s32 s3, s2  }
0x8d: {  	s2 =	sadd.s32 s2, s17  }
0x8e: {  	[smem:$0x3FC2] =	sst s2  }
0x8f: {  	_ = 	snop  }
0x90: {  	s2 =	sld [smem:$0x3FD0];
	(tm) =	ssettm $0x1  }
0x91: {  	s18 =	sld [smem:$0x3FFB];
	_ =	sdelay $0x3  }
0x92: {  	_ =	strace s18  }
0x93: {  	s3 =	sld [smem:$0x3FFC];
	_ =	sdelay $0x3  }
0x94: {  	_ =	strace s3  }
0x95: {  	s3 =	sld [smem:$0x3FFD];
	_ =	sdelay $0x3  }
0x96: {  	_ =	strace s3  }
0x97: {  	_ =	strace $0x8FFFFFFF  }
0x98: {  	s19 =	sld [smem:$0x3FDB];
	_ =	sdelay $0x1  }
0x99: {  	s4 =	simm.s32 $_scs_section_size  }
0x9a: {  	s5 =	simm.s32 $_size__tile_overlayer_lowered;
	s6 =	simm.s32 $_tile_overlayer_lowered  }
0x9b: {  	s22 =	simm.s32 $0x1BFF;
	s21 =	sshll.u32 s6, $0x1;
	s3 =	sadd.s32 s4, s19  }
0x9c: {  	s7 =	simm.s32 $0x0;
	s20 =	sshll.u32 s5, $0x1;
	s5 =	sadd.s32 s21, s3  }
0x9d: {  	[timem:s7], [sflag:s22] =	dma.local [hbm:s5], s20  }
0x9e: {  	_ =	swait.ge [sflag:s22], s20  }
0x9f: {  	s4 =	ssub.s32 $0x0, s20;
	[sflag:s22] =	ssyncset.done $0x0  }
0xa0: {  	[sflag:s22] =	ssyncadd.s32 s4;
	_ =	sdelay $0x1  }
0xa1: {  	s23 =	simm.s32 $0x1B8B  }
0xa2: {  	_ =	swait.ge [sflag:s23], $0x1  }
0xa3: {  	[sflag:s23] =	ssyncset.done $0x0  }
0xa4: {  	s25 =	simm.s32 $0x1B8E;
	s24 =	sld [smem:$0x3FFE];
	[sflag:s23] =	ssyncadd.s32 $0xFFFFFFFF  }
0xa5: {  	s26 =	simm.s32 $execute0_lowered;
	[smem:$0x3FD2] =	sst s25  }
0xa6: {  	s5 =	sshll.u32 s26, $0x1;
	_ =	strace $0x80000049;
	[dreg:$0x1] =	wrdreg $0xFFFFFFFF  }
0xa7: {  	s28 =	simm.s32 $_size_execute0_lowered;
	s3 =	sadd.s32 s3, s5;
	[dreg:$0x0] =	wrdreg $0x0  }
0xa8: {  	s5 =	sshll.u32 s28, $0x1;
	[dreg:$0x2] =	wrdreg s3  }
0xa9: {  	[dreg:$0x3] =	wrdreg s5  }
0xaa: {  	[dreg:$0x4] =	wrdreg $0xC0  }
0xab: {  	_ =	task [dreg:s7], $0x5FFFF  }
0xac: {  	[dreg:$0x1] =	wrdreg $0xFFFFFFFF  }
0xad: {  	[dreg:$0x0] =	wrdreg $0x60  }
0xae: {  	[dreg:$0x2] =	wrdreg s24  }
0xaf: {  	[dreg:$0x3] =	wrdreg s2  }
0xb0: {  	[dreg:$0x4] =	wrdreg $0x132000  }
0xb1: {  	[dreg:$0x5] =	wrdreg $0x92000  }
0xb2: {  	[dreg:$0x6] =	wrdreg $0x9  }
0xb3: {  	_ =	task.clear_ibuf [dreg:s7], $0x7FFFF;
	_ =	strace $0x90000049  }
0xb4: {  	s29 =	simm.s32 $0x9;
	_ =	strace $0x8000004B  }
0xb5: {  	_ =	swait.ge [sflag:s29], $0x1  }
0xb6: {  	[sflag:s29] =	ssyncadd.s32 $0xFFFFFFFF  }
0xb7: {  	_ =	strace $0x9000004B  }
0xb8: {  	_ =	sfence  }
0xb9: {  	s30 =	sld [smem:$0x0];
	_ =	sdelay $0x2  }
0xba: {  	s31 =	sshll.u32 s1, $0xD;
	s1 =	sshrl.u32 s1, $0x2  }
0xbb: {  	s3 =	sand.u32 $0x4000, s31;
	s1 =	sadd.s32 s1, s30  }
0xbc: {  	s0 =	sor.u32 s3, s0;
	s1 =	sshll.u32 s1, $0x11  }
0xbd: {  	s0 =	sor.u32 s1, s0  }
0xbe: {  	s0 =	sadd.s32 $0x8F2B, s0  }
0xbf: {  	[sflag:s0] =	ssyncadd.remote.s32 $0x1  }
0xc0: {  	_ =	sfence.sel $0xFFFF  }
0xc1: {  	[dreg:$0x0] =	wrdreg $0xFFFFFFFF;
	(pc) =	sbr.abs _section_cstart, $3  }
0xc2: {  	[dreg:$0x1] =	wrdreg $0xFFFFFFFF  }
0xc3: {  	_ =	task.clear_ibuf [dreg:s7], $0x2FFFF;
	_ =	strace $0x9FFFFFFF  }
0xc4: {  	(tm) =	ssettm $0x7FFFFFFF  }
0xc5: {  	_ =	shalt  }
tec
execute0_lowered:
.L_overlay_start_1:
0x0: {  	(tag) =	ssettag $0x1  }
0x1: {  	s5 =	rddreg [dreg:$0x0]  }
0x2: {  	s6 =	rddreg [dreg:$0x1]  }
0x3: {  	s2 =	rddreg [dreg:$0x2]  }
0x4: {  	s0 =	stileid.u32;
	s1 =	srdreg.scid  }
0x5: {  	s3 =	rddreg [dreg:$0x3];
	s4 =	simm.s32 $0x0;
	s14 =	simm.s32 $0x80  }
0x6: {  	s15 =	simm.s32 $0x5000;
	s16 =	simm.s32 $0x5200;
	s17 =	simm.s32 $0x5080  }
0x7: {  	s18 =	simm.s32 $0x7200;
	s19 =	simm.s32 $0x1;
	s20 =	simm.s32 $0x5100  }
0x8: {  	s21 =	simm.s32 $0x2;
	s22 =	simm.s32 $0x5180;
	s23 =	simm.s32 $0x3  }
0x9: {  	s24 =	simm.s32 $0x4;
	s25 =	simm.s32 $0x0;
	s8 =	smul.u32 $0xA000, s0  }
0xa: {  	s7 =	sand.u32 $0x1, s1;
	s1 =	rddreg [dreg:$0x4];
	s10 =	smul.u32 $0xA00, s0  }
0xb: {  	[smem:$0x7FF] =	sst s4;
	s31 =	sshll.u32 s0, $0x6;
	s9 =	smul.u32 $0xA0000, s7  }
0xc: {  	_ =	strace $0x8000004A;
	s7 =	ssub.s32 $0x2, s7;
	s10 =	sadd.s32 s10, s5  }
0xd: {  	s11 =	sshrl.u32 s7, $0x1;
	s30 =	sshrl.u32 s8, $0x3;
	s12 =	sadd.s32 s8, s2  }
.Ltmp0:
0xe: {  	s13 =	sadd.s32 s8, s3;
	s9 =	sadd.s32 s8, s9;
	(pc) =	sbr.rel .LBB2_1-.Ltmp0, $4  }
0xf: {  	s11 =	ssub.s32 s7, s11;
	s8 =	sadd.s32 $0x1400, s10;
	s13 =	sshrl.u32 s13, $0x3  }
0x10: {  	s9 =	sshrl.u32 s9, $0x3;
	s10 =	smax.u32 s11, $0x1;
	s11 =	sshrl.u32 s12, $0x3  }
0x11: {  	s12 =	simm.s32 $0x5;
	s9 =	sadd.s32 s9, s5;
	s5 =	sadd.s32 s6, s30  }
0x12: {  	s6 =	sor.u32 $0x1C05, s31;
	s7 =	sadd.s32 $0x5B400, s9;
	s9 =	sadd.s32 $0xB400, s9  }
.LBB2_3:
0x13: {  	_ =	swait.ge [sflag:s24], $0x2000  }
0x14: {  	[sflag:s24] =	ssyncset.done $0x0  }
0x15: {  	[sflag:s24] =	ssyncadd.s32 $0xFFFFE000  }
.LBB2_5:
0x16: {  	s25 =	sadd.s32 $0x1, s25  }
0x17: {  	p0 =	sne.s32 s25, s10  }
.Ltmp1:
0x18: {  	[bflag:$0x0] =	sbarrier.arrive $0xFFFF;
	(pc) =	sbr.rel @!p0 .LBB2_6-.Ltmp1, $4  }
0x19: {  	[hbm:s9], [sflag:s6] =	dma.local [spmem:s11], $0x1400  }
0x1a: {  	_ =	swait.ge [sflag:s12], $0x1400  }
0x1b: {  	[sflag:s12] =	ssyncset.done $0x0  }
0x1c: {  	[sflag:s12] =	ssyncadd.s32 $0xFFFFEC00  }
.LBB2_1:
0x1d: {  	[spmem:s11], [sflag:s6] =	dma.local [hbm:s5], $0x1400  }
0x1e: {  	_ =	swait.ge [sflag:s12], $0x1400  }
0x1f: {  	[sflag:s12] =	ssyncset.done $0x0  }
0x20: {  	[sflag:s12] =	ssyncadd.s32 $0xFFFFEC00  }
0x21: {  	[spmem:s13], [sflag:s6] =	dma.local [hbm:s7], $0x1400  }
0x22: {  	_ =	swait.ge [sflag:s12], $0x1400  }
0x23: {  	[sflag:s12] =	ssyncset.done $0x0  }
0x24: {  	[sflag:s12] =	ssyncadd.s32 $0xFFFFEC00  }
0x25: {  	[tilespmem:s4], [sflag:$0x5] =	stream.linear.gather [hbm4b:s8+s4], $0x5000, $0x38;
	[tilespmem:$0x1D200] =	vst v63  }
0x26: {  	_ =	swait.ge [sflag:s12], $0x5000  }
0x27: {  	[sflag:s12] =	ssyncset.done $0x0  }
0x28: {  	[sflag:s12] =	ssyncadd.s32 $0xFFFFB000  }
0x29: {  	[bflag:$0x0] =	sbarrier.arrive $0xFFFF  }
0x2a: {  	v0 =	vld [tilespmem:$0x0];
	_ =	sdelay $0x1  }
0x2b: {  	v1 =	vld [tilespmem:$0x10];
	_ =	sdelay $0x1  }
0x2c: {  	v2 =	vld [tilespmem:$0x20]  }
0x2d: {  	v3 =	vand.u32 $0x3FFF, v0  }
0x2e: {  	v22 =	vld [tilespmem:$0x30];
	v0 =	vshra.s32 v0, $0xE;
	[tilespmem:$0x5000] =	vst v3  }
0x2f: {  	v23 =	vand.u32 $0x3FFF, v1;
	[tilespmem:$0x5100] =	vst v0  }
0x30: {  	v25 =	vld [tilespmem:$0x40];
	v24 =	vshra.s32 v1, $0xE;
	[tilespmem:$0x5010] =	vst v23  }
0x31: {  	v26 =	vand.u32 $0x3FFF, v2;
	[tilespmem:$0x5110] =	vst v24  }
0x32: {  	v28 =	vld [tilespmem:$0x50];
	v27 =	vshra.s32 v2, $0xE;
	[tilespmem:$0x5020] =	vst v26  }
0x33: {  	v29 =	vand.u32 $0x3FFF, v22;
	[tilespmem:$0x5120] =	vst v27  }
0x34: {  	v31 =	vld [tilespmem:$0x60];
	v30 =	vshra.s32 v22, $0xE;
	[tilespmem:$0x5030] =	vst v29  }
0x35: {  	v32 =	vand.u32 $0x3FFF, v25;
	[tilespmem:$0x5130] =	vst v30  }
0x36: {  	v34 =	vld [tilespmem:$0x70];
	v33 =	vshra.s32 v25, $0xE;
	[tilespmem:$0x5040] =	vst v32  }
0x37: {  	v35 =	vand.u32 $0x3FFF, v28;
	[tilespmem:$0x5140] =	vst v33  }
0x38: {  	v36 =	vshra.s32 v28, $0xE;
	[tilespmem:$0x5050] =	vst v35  }
0x39: {  	v37 =	vand.u32 $0x3FFF, v31;
	[tilespmem:$0x5150] =	vst v36  }
0x3a: {  	v38 =	vshra.s32 v31, $0xE;
	[tilespmem:$0x5060] =	vst v37  }
0x3b: {  	v39 =	vand.u32 $0x3FFF, v34;
	[tilespmem:$0x5160] =	vst v38  }
0x3c: {  	v40 =	vshra.s32 v34, $0xE;
	[tilespmem:$0x5070] =	vst v39  }
0x3d: {  	[tilespmem:$0x5170] =	vst v40  }
0x3e: {  	[tilespmem:s16], [sflag:$0x1] =	stream.indirect.gather [spmem:s3], $0x40, s15, s14, $0xb8;
	[tilespmem:$0x1D200] =	vst v63  }
0x3f: {  	v41 =	vld [tilespmem:$0x80];
	_ =	sdelay $0x1  }
0x40: {  	v42 =	vld [tilespmem:$0x90];
	_ =	sdelay $0x1  }
0x41: {  	v43 =	vld [tilespmem:$0xA0]  }
0x42: {  	v44 =	vand.u32 $0x3FFF, v41  }
0x43: {  	v45 =	vld [tilespmem:$0xB0];
	v0 =	vshra.s32 v41, $0xE;
	[tilespmem:$0x5080] =	vst v44  }
0x44: {  	v46 =	vand.u32 $0x3FFF, v42;
	[tilespmem:$0x5180] =	vst v0  }
0x45: {  	v48 =	vld [tilespmem:$0xC0];
	v47 =	vshra.s32 v42, $0xE;
	[tilespmem:$0x5090] =	vst v46  }
0x46: {  	v49 =	vand.u32 $0x3FFF, v43;
	[tilespmem:$0x5190] =	vst v47  }
0x47: {  	v51 =	vld [tilespmem:$0xD0];
	v50 =	vshra.s32 v43, $0xE;
	[tilespmem:$0x50A0] =	vst v49  }
0x48: {  	v52 =	vand.u32 $0x3FFF, v45;
	[tilespmem:$0x51A0] =	vst v50  }
0x49: {  	v54 =	vld [tilespmem:$0xE0];
	v53 =	vshra.s32 v45, $0xE;
	[tilespmem:$0x50B0] =	vst v52  }
0x4a: {  	v55 =	vand.u32 $0x3FFF, v48;
	[tilespmem:$0x51B0] =	vst v53  }
0x4b: {  	v57 =	vld [tilespmem:$0xF0];
	v56 =	vshra.s32 v48, $0xE;
	[tilespmem:$0x50C0] =	vst v55  }
0x4c: {  	v58 =	vand.u32 $0x3FFF, v51;
	[tilespmem:$0x51C0] =	vst v56  }
0x4d: {  	v59 =	vshra.s32 v51, $0xE;
	[tilespmem:$0x50D0] =	vst v58  }
0x4e: {  	v60 =	vand.u32 $0x3FFF, v54;
	[tilespmem:$0x51D0] =	vst v59  }
0x4f: {  	v61 =	vshra.s32 v54, $0xE;
	[tilespmem:$0x50E0] =	vst v60  }
0x50: {  	v62 =	vand.u32 $0x3FFF, v57;
	[tilespmem:$0x51E0] =	vst v61  }
0x51: {  	v63 =	vshra.s32 v57, $0xE;
	[tilespmem:$0x50F0] =	vst v62  }
0x52: {  	s26 =	simm.s32 $0x0;
	[tilespmem:$0x51F0] =	vst v63  }
0x53: {  	[tilespmem:s18], [sflag:$0x2] =	stream.indirect.gather [spmem:s3], $0x40, s17, s14, $0xb8;
	[tilespmem:$0x1D200] =	vst v63  }
.LBB2_2:
0x54: {  	_ =	swait.ge [sflag:s19], $0x2000  }
0x55: {  	[sflag:s19] =	ssyncset.done $0x0  }
0x56: {  	[sflag:s19] =	ssyncadd.s32 $0xFFFFE000  }
0x57: {  	[spmem:s2] =	stream.indirect.scatter.add.f32 [tilespmem:s16], [sflag:$0x3], $0x40, s20, s14, $0xb8;
	[tilespmem:$0x1D200] =	vst v63  }
0x58: {  	_ =	swait.ge [sflag:s21], $0x2000  }
0x59: {  	p0 =	sne.s32 s26, $0x13C00;
	[sflag:s21] =	ssyncset.done $0x0  }
.Ltmp2:
0x5a: {  	[sflag:s21] =	ssyncadd.s32 $0xFFFFE000;
	(pc) =	sbr.rel @!p0 .LBB2_3-.Ltmp2, $4  }
0x5b: {  	[spmem:s2] =	stream.indirect.scatter.add.f32 [tilespmem:s18], [sflag:$0x4], $0x40, s22, s14, $0xb8;
	[tilespmem:$0x1D200] =	vst v63  }
0x5c: {  	_ =	swait.ge [sflag:s23], $0x2000  }
0x5d: {  	[sflag:s23] =	ssyncset.done $0x0  }
0x5e: {  	[sflag:s23] =	ssyncadd.s32 $0xFFFFE000  }
0x5f: {  	s28 =	sshra.s32 s26, $0x2  }
0x60: {  	v0 =	vld [tilespmem:s28+$0x100];
	_ =	sdelay $0x4  }
0x61: {  	v1 =	vand.u32 $0x3FFF, v0  }
0x62: {  	v0 =	vshra.s32 v0, $0xE;
	[tilespmem:$0x5000] =	vst v1  }
0x63: {  	[tilespmem:$0x5100] =	vst v0  }
0x64: {  	v0 =	vld [tilespmem:s28+$0x110];
	_ =	sdelay $0x4  }
0x65: {  	v48 =	vand.u32 $0x3FFF, v0  }
0x66: {  	v0 =	vshra.s32 v0, $0xE;
	[tilespmem:$0x5010] =	vst v48  }
0x67: {  	[tilespmem:$0x5110] =	vst v0  }
0x68: {  	v0 =	vld [tilespmem:s28+$0x120];
	_ =	sdelay $0x4  }
0x69: {  	v49 =	vand.u32 $0x3FFF, v0  }
0x6a: {  	v0 =	vshra.s32 v0, $0xE;
	[tilespmem:$0x5020] =	vst v49  }
0x6b: {  	[tilespmem:$0x5120] =	vst v0  }
0x6c: {  	v0 =	vld [tilespmem:s28+$0x130];
	_ =	sdelay $0x4  }
0x6d: {  	v50 =	vand.u32 $0x3FFF, v0  }
0x6e: {  	v0 =	vshra.s32 v0, $0xE;
	[tilespmem:$0x5030] =	vst v50  }
0x6f: {  	[tilespmem:$0x5130] =	vst v0  }
0x70: {  	v0 =	vld [tilespmem:s28+$0x140];
	_ =	sdelay $0x4  }
0x71: {  	v51 =	vand.u32 $0x3FFF, v0  }
0x72: {  	v0 =	vshra.s32 v0, $0xE;
	[tilespmem:$0x5040] =	vst v51  }
0x73: {  	[tilespmem:$0x5140] =	vst v0  }
0x74: {  	v0 =	vld [tilespmem:s28+$0x150];
	_ =	sdelay $0x4  }
0x75: {  	v52 =	vand.u32 $0x3FFF, v0  }
0x76: {  	v0 =	vshra.s32 v0, $0xE;
	[tilespmem:$0x5050] =	vst v52  }
0x77: {  	[tilespmem:$0x5150] =	vst v0  }
0x78: {  	v0 =	vld [tilespmem:s28+$0x160];
	_ =	sdelay $0x4  }
0x79: {  	v53 =	vand.u32 $0x3FFF, v0  }
0x7a: {  	v0 =	vshra.s32 v0, $0xE;
	[tilespmem:$0x5060] =	vst v53  }
0x7b: {  	[tilespmem:$0x5160] =	vst v0  }
0x7c: {  	v0 =	vld [tilespmem:s28+$0x170];
	_ =	sdelay $0x4  }
0x7d: {  	v54 =	vand.u32 $0x3FFF, v0  }
0x7e: {  	v0 =	vshra.s32 v0, $0xE;
	[tilespmem:$0x5070] =	vst v54  }
0x7f: {  	[tilespmem:$0x5170] =	vst v0  }
0x80: {  	[tilespmem:s16], [sflag:$0x1] =	stream.indirect.gather [spmem:s3], $0x40, s15, s14, $0xb8;
	[tilespmem:$0x1D200] =	vst v63  }
0x81: {  	_ =	swait.ge [sflag:s24], $0x2000  }
0x82: {  	[sflag:s24] =	ssyncset.done $0x0  }
0x83: {  	[sflag:s24] =	ssyncadd.s32 $0xFFFFE000  }
0x84: {  	v55 =	vld [tilespmem:s28+$0x180];
	_ =	sdelay $0x4  }
0x85: {  	v56 =	vand.u32 $0x3FFF, v55  }
0x86: {  	v0 =	vshra.s32 v55, $0xE;
	[tilespmem:$0x5080] =	vst v56  }
0x87: {  	[tilespmem:$0x5180] =	vst v0  }
0x88: {  	v0 =	vld [tilespmem:s28+$0x190];
	_ =	sdelay $0x4  }
0x89: {  	v57 =	vand.u32 $0x3FFF, v0  }
0x8a: {  	v0 =	vshra.s32 v0, $0xE;
	[tilespmem:$0x5090] =	vst v57  }
0x8b: {  	[tilespmem:$0x5190] =	vst v0  }
0x8c: {  	v0 =	vld [tilespmem:s28+$0x1A0];
	_ =	sdelay $0x4  }
0x8d: {  	v58 =	vand.u32 $0x3FFF, v0  }
0x8e: {  	v0 =	vshra.s32 v0, $0xE;
	[tilespmem:$0x50A0] =	vst v58  }
0x8f: {  	[tilespmem:$0x51A0] =	vst v0  }
0x90: {  	v0 =	vld [tilespmem:s28+$0x1B0];
	_ =	sdelay $0x4  }
0x91: {  	v59 =	vand.u32 $0x3FFF, v0  }
0x92: {  	v0 =	vshra.s32 v0, $0xE;
	[tilespmem:$0x50B0] =	vst v59  }
0x93: {  	[tilespmem:$0x51B0] =	vst v0  }
0x94: {  	v0 =	vld [tilespmem:s28+$0x1C0];
	_ =	sdelay $0x4  }
0x95: {  	v60 =	vand.u32 $0x3FFF, v0  }
0x96: {  	v0 =	vshra.s32 v0, $0xE;
	[tilespmem:$0x50C0] =	vst v60  }
0x97: {  	[tilespmem:$0x51C0] =	vst v0  }
0x98: {  	v0 =	vld [tilespmem:s28+$0x1D0];
	_ =	sdelay $0x4  }
0x99: {  	v61 =	vand.u32 $0x3FFF, v0  }
0x9a: {  	v0 =	vshra.s32 v0, $0xE;
	[tilespmem:$0x50D0] =	vst v61  }
0x9b: {  	[tilespmem:$0x51D0] =	vst v0  }
0x9c: {  	v0 =	vld [tilespmem:s28+$0x1E0];
	_ =	sdelay $0x4  }
0x9d: {  	v62 =	vand.u32 $0x3FFF, v0  }
0x9e: {  	v0 =	vshra.s32 v0, $0xE;
	[tilespmem:$0x50E0] =	vst v62  }
0x9f: {  	[tilespmem:$0x51E0] =	vst v0  }
0xa0: {  	v0 =	vld [tilespmem:s28+$0x1F0];
	_ =	sdelay $0x1  }
0xa1: {  	s26 =	sadd.s32 $0x400, s26  }
0xa2: {  	p0 =	sne.s32 s26, $0x14000  }
.Ltmp3:
0xa3: {  	_ = 	snop;
	(pc) =	sbr.rel @p0 .LBB2_2-.Ltmp3, $4  }
.Ltmp4:
0xa4: {  	v63 =	vand.u32 $0x3FFF, v0;
	(pc) =	sbr.rel @!p0 .LBB2_5-.Ltmp4, $4  }
0xa5: {  	v0 =	vshra.s32 v0, $0xE;
	[tilespmem:$0x50F0] =	vst v63  }
0xa6: {  	[tilespmem:$0x51F0] =	vst v0  }
0xa7: {  	[tilespmem:s18], [sflag:$0x2] =	stream.indirect.gather [spmem:s3], $0x40, s17, s14, $0xb8;
	[tilespmem:$0x1D200] =	vst v63  }
0xa8: {  	_ = 	snop  }
.LBB2_6:
0xa9: {  	_ =	sfence.sel $0x180000  }
0xaa: {  	[bflag:$0x0] =	sbarrier.arrive $0xFFFF  }
0xab: {  	p0 =	sne.s32 s0, $0x0;
	_ =	strace $0x9000004A  }
0xac: {  	s0 =	sadd.s32 @!p0 $0x100000, s1;
	[bflag:$0x2] =	sbarrier.arrive $0xFFFF  }
0xad: {  	[sflag:s0] =	ssyncadd.tile.s32 @!p0 $0x1;
	_ =	shalt  }
.Lfunc_end2:
_tile_overlayer_lowered:
.L_overlay_start_2:
0xae: {  	(tag) =	ssettag $0x2  }
0xaf: {  	s0 =	rddreg [dreg:$0x0];
	s2 =	stileid.u32  }
0xb0: {  	s1 =	rddreg [dreg:$0x1];
	p0 =	sne.s32 s2, $0x0  }
0xb1: {  	s3 =	rddreg [dreg:$0x2];
	[bflag:$0x3] =	sbarrier.arrive $0xFFFF;
	s2 =	simm.s32 @!p0 $0x1C05  }
0xb2: {  	[timem:s3], [sflag:s2] =	dma.local @!p0 [hbm:s0], s1  }
0xb3: {  	s0 =	simm.s32 @!p0 $0x5  }
0xb4: {  	_ =	swait.ge @!p0 [sflag:s0], s1  }
0xb5: {  	s1 =	ssub.s32 @!p0 $0x0, s1;
	[sflag:s0] =	ssyncset.done @!p0 $0x0  }
0xb6: {  	[sflag:s0] =	ssyncadd.s32 @!p0 s1  }
0xb7: {  	[bflag:$0x3] =	sbarrier.arrive $0xFFFF  }
0xb8: {  	_ =	shalt  }

// kernel: kernel.7.cloned.1.call-start
scs
__scs_entry_jumppad:
0x0: {  	(pc) =	sbr.rel $0x88, $3  }
0x1: {  	(tag) =	ssettag $0x0;
	lr =	simm.s32 $0x1  }
0x2: {  	[smem:$0x3F9B] =	sst lr;
	_ =	strace $0xD0000000  }
0x3: {  	_ = 	snop  }
0x4: {  	_ = 	snop  }
0x5: {  	_ = 	snop  }
0x6: {  	_ = 	snop  }
0x7: {  	_ = 	snop  }
__scs_overlays_trampoline_lowered:
0x8: {  	[smem:$0x3FAA] =	sst s0  }
0x9: {  	[smem:$0x3FAB] =	sst s1  }
0xa: {  	[smem:$0x3FAC] =	sst s2  }
0xb: {  	[smem:$0x3FAD] =	sst s3  }
0xc: {  	[smem:$0x3FAE] =	sst s4  }
0xd: {  	[smem:$0x3FAF] =	sst s5  }
0xe: {  	[smem:$0x3FB0] =	sst s6  }
0xf: {  	[smem:$0x3FB1] =	sst s7  }
0x10: {  	[smem:$0x3FB2] =	sst s8  }
0x11: {  	[smem:$0x3FB3] =	sst s9;
	s0 =	simm.s32 @!p0 $0x0  }
0x12: {  	s1 =	sld [smem:$0x3F99];
	s0 =	simm.s32 @p0 $0x1  }
0x13: {  	[smem:$0x3FB4] =	sst s0;
	s0 =	simm.s32 @!p1 $0x0  }
0x14: {  	s2 =	sld [smem:$0x3F98];
	s0 =	simm.s32 @p1 $0x1  }
0x15: {  	[smem:$0x3FB5] =	sst s0;
	s0 =	simm.s32 @!p2 $0x0  }
0x16: {  	s3 =	sld [smem:$0x3FDB];
	s0 =	simm.s32 @p2 $0x1  }
0x17: {  	s4 =	simm.s32 $0x1BF5;
	[smem:$0x3FB7] =	sst s0  }
0x18: {  	s0 =	sld [smem:$0x3F9A];
	_ =	swait.ge [sflag:s4], $0x0  }
0x19: {  	s7 =	sld [smem:$0x3F9B]  }
0x1a: {  	s8 =	sadd.s32 $0xFFFFE003, lr  }
0x1b: {  	s9 =	sadd.s32 $0xFFFFFEF7, lr;
	s5 =	simm.s32 $0xFFFFFFFF;
	p2 =	slt.u32 s8, $0xFFFFF086  }
0x1c: {  	p1 =	slt.u32 s9, $0xF7A;
	s5 =	simm.s32 @!p2 $0x0  }
0x1d: {  	s5 =	simm.s32 @p1 $0x1;
	p0 =	seq.s32 s7, s2  }
0x1e: {  	s7 =	smul.u32 @!p0 $0xF7A, s2;
	p2 =	seq.s32 @!p0 s5, $0x0  }
0x1f: {  	s9 =	smul.u32 $0xF7A, s1;
	s8 =	simm.s32 @!p0 $0x1BF5;
	p2 =	por !p2, p0  }
0x20: {  	[sflag:s8] =	ssyncset.s32 @!p0 $0xFFFFF086;
	s6 =	sadd.s32 @!p0 s3, s7;
	s7 =	simm.s32 @!p0 $0x108  }
0x21: {  	s3 =	sadd.s32 s3, s9;
	s6 =	sadd.s32 @!p0 $0x88, s6;
	s7 =	simm.s32 @p2 $0x1082  }
0x22: {  	[simem:s7], [sflag:s8] =	dma.local @!p0 [hbm:s6], $0xF7A  }
0x23: {  	s9 =	sor.u32 $0xD0000000, s2;
	s6 =	simm.s32 $0x108;
	_ =	swait.ge @!p0 [sflag:s8], $0x0  }
0x24: {  	s3 =	sadd.s32 $0x88, s3;
	s6 =	simm.s32 @!p1 $0x1082;
	[sflag:s4] =	ssyncset.s32 $0xFFFFF086  }
0x25: {  	[simem:s6], [sflag:s4] =	dma.local [hbm:s3], $0xF7A  }
0x26: {  	[smem:$0x3F9B] =	sst s1;
	(tag) =	ssettag s2;
	_ =	strace s9  }
0x27: {  	s1 =	sld [smem:$0x3FAB]  }
0x28: {  	s2 =	sld [smem:$0x3FAC]  }
0x29: {  	s4 =	sld [smem:$0x3FAE]  }
0x2a: {  	p0 =	seq.s32 s5, $0x0;
	s5 =	sld [smem:$0x3FAF]  }
0x2b: {  	s6 =	sld [smem:$0x3FB0]  }
0x2c: {  	s7 =	sld [smem:$0x3FB1]  }
0x2d: {  	s3 =	simm.s32 $0x108;
	s8 =	sld [smem:$0x3FB2]  }
0x2e: {  	s3 =	simm.s32 @!p0 $0x1082;
	s9 =	sld [smem:$0x3FB3]  }
0x2f: {  	lr =	sadd.s32 s0, s3;
	s0 =	sld [smem:$0x3FAA]  }
0x30: {  	s3 =	sld [smem:$0x3FAD]  }
0x31: {  	[smem:$0x3FB6] =	sst s10  }
0x32: {  	s10 =	sld [smem:$0x3FB4];
	_ =	sdelay $0x3  }
0x33: {  	p0 =	seq.s32 s10, $0x1;
	s10 =	sld [smem:$0x3FB6];
	_ =	sdelay $0x3  }
0x34: {  	[smem:$0x3FB6] =	sst s10  }
0x35: {  	s10 =	sld [smem:$0x3FB5];
	_ =	sdelay $0x3  }
0x36: {  	p1 =	seq.s32 s10, $0x1;
	s10 =	sld [smem:$0x3FB6];
	_ =	sdelay $0x3  }
0x37: {  	[smem:$0x3FB6] =	sst s10  }
0x38: {  	s10 =	sld [smem:$0x3FB7]  }
0x39: {  	_ = 	snop;
	(pc) =	sbr.ind lr, $3  }
0x3a: {  	_ = 	snop  }
0x3b: {  	_ = 	snop  }
0x3c: {  	p2 =	seq.s32 s10, $0x1;
	s10 =	sld [smem:$0x3FB6]  }
0x3d: {  	_ =	shalt  }
0x3e: {  	_ =	shalt  }
0x3f: {  	_ =	shalt  }
0x40: {  	_ =	shalt  }
0x41: {  	_ =	shalt  }
0x42: {  	_ =	shalt  }
0x43: {  	_ =	shalt  }
0x44: {  	_ =	shalt  }
0x45: {  	_ =	shalt  }
0x46: {  	_ =	shalt  }
0x47: {  	_ =	shalt  }
0x48: {  	_ =	shalt  }
0x49: {  	_ =	shalt  }
0x4a: {  	_ =	shalt  }
0x4b: {  	_ =	shalt  }
0x4c: {  	_ =	shalt  }
0x4d: {  	_ =	shalt  }
0x4e: {  	_ =	shalt  }
0x4f: {  	_ =	shalt  }
0x50: {  	_ =	shalt  }
0x51: {  	_ =	shalt  }
0x52: {  	_ =	shalt  }
0x53: {  	_ =	shalt  }
0x54: {  	_ =	shalt  }
0x55: {  	_ =	shalt  }
0x56: {  	_ =	shalt  }
0x57: {  	_ =	shalt  }
0x58: {  	_ =	shalt  }
0x59: {  	_ =	shalt  }
0x5a: {  	_ =	shalt  }
0x5b: {  	_ =	shalt  }
0x5c: {  	_ =	shalt  }
0x5d: {  	_ =	shalt  }
0x5e: {  	_ =	shalt  }
0x5f: {  	_ =	shalt  }
0x60: {  	_ =	shalt  }
0x61: {  	_ =	shalt  }
0x62: {  	_ =	shalt  }
0x63: {  	_ =	shalt  }
0x64: {  	_ =	shalt  }
0x65: {  	_ =	shalt  }
0x66: {  	_ =	shalt  }
0x67: {  	_ =	shalt  }
0x68: {  	_ =	shalt  }
0x69: {  	_ =	shalt  }
0x6a: {  	_ =	shalt  }
0x6b: {  	_ =	shalt  }
0x6c: {  	_ =	shalt  }
0x6d: {  	_ =	shalt  }
0x6e: {  	_ =	shalt  }
0x6f: {  	_ =	shalt  }
0x70: {  	_ =	shalt  }
0x71: {  	_ =	shalt  }
0x72: {  	_ =	shalt  }
0x73: {  	_ =	shalt  }
0x74: {  	_ =	shalt  }
0x75: {  	_ =	shalt  }
0x76: {  	_ =	shalt  }
0x77: {  	_ =	shalt  }
0x78: {  	_ =	shalt  }
0x79: {  	_ =	shalt  }
0x7a: {  	_ =	shalt  }
0x7b: {  	_ =	shalt  }
0x7c: {  	_ =	shalt  }
0x7d: {  	_ =	shalt  }
0x7e: {  	_ =	shalt  }
0x7f: {  	_ =	shalt  }
0x80: {  	_ =	shalt  }
0x81: {  	_ =	shalt  }
0x82: {  	_ =	shalt  }
0x83: {  	_ =	shalt  }
0x84: {  	_ =	shalt  }
0x85: {  	_ =	shalt  }
0x86: {  	_ =	shalt  }
0x87: {  	_ =	shalt  }
.Lfunc_end0:
.L_simem_size_0:
called_computation_lowered:
.L_overlay_start_0:
0x88: {  	s2 =	sld [smem:$0x3FD9]  }
0x89: {  	s3 =	sld [smem:$0x3FFE];
	_ =	sdelay $0x1  }
0x8a: {  	s1 =	srdreg.scid  }
0x8b: {  	s0 =	sand.u32 $0x1, s1  }
0x8c: {  	s17 =	sshll.u32 s0, $0xA;
	s2 =	sadd.s32 s3, s2  }
0x8d: {  	s2 =	sadd.s32 s2, s17  }
0x8e: {  	[smem:$0x3FC2] =	sst s2  }
0x8f: {  	_ = 	snop  }
0x90: {  	s2 =	sld [smem:$0x3FD0];
	(tm) =	ssettm $0x1  }
0x91: {  	s18 =	sld [smem:$0x3FFB];
	_ =	sdelay $0x3  }
0x92: {  	_ =	strace s18  }
0x93: {  	s3 =	sld [smem:$0x3FFC];
	_ =	sdelay $0x3  }
0x94: {  	_ =	strace s3  }
0x95: {  	s3 =	sld [smem:$0x3FFD];
	_ =	sdelay $0x3  }
0x96: {  	_ =	strace s3  }
0x97: {  	_ =	strace $0x8FFFFFFF  }
0x98: {  	s19 =	sld [smem:$0x3FDB];
	_ =	sdelay $0x1  }
0x99: {  	s4 =	simm.s32 $_scs_section_size  }
0x9a: {  	s5 =	simm.s32 $_size__tile_overlayer_lowered;
	s6 =	simm.s32 $_tile_overlayer_lowered  }
0x9b: {  	s22 =	simm.s32 $0x1BFF;
	s21 =	sshll.u32 s6, $0x1;
	s3 =	sadd.s32 s4, s19  }
0x9c: {  	s7 =	simm.s32 $0x0;
	s20 =	sshll.u32 s5, $0x1;
	s5 =	sadd.s32 s21, s3  }
0x9d: {  	[timem:s7], [sflag:s22] =	dma.local [hbm:s5], s20  }
0x9e: {  	_ =	swait.ge [sflag:s22], s20  }
0x9f: {  	s4 =	ssub.s32 $0x0, s20;
	[sflag:s22] =	ssyncset.done $0x0  }
0xa0: {  	[sflag:s22] =	ssyncadd.s32 s4;
	_ =	sdelay $0x1  }
0xa1: {  	s23 =	simm.s32 $0x1B8B  }
0xa2: {  	_ =	swait.ge [sflag:s23], $0x1  }
0xa3: {  	[sflag:s23] =	ssyncset.done $0x0  }
0xa4: {  	s25 =	simm.s32 $0x1B8E;
	s24 =	sld [smem:$0x3FFE];
	[sflag:s23] =	ssyncadd.s32 $0xFFFFFFFF  }
0xa5: {  	s26 =	simm.s32 $execute0_lowered;
	[smem:$0x3FD2] =	sst s25  }
0xa6: {  	s5 =	sshll.u32 s26, $0x1;
	_ =	strace $0x80000046;
	[dreg:$0x1] =	wrdreg $0xFFFFFFFF  }
0xa7: {  	s28 =	simm.s32 $_size_execute0_lowered;
	s3 =	sadd.s32 s3, s5;
	[dreg:$0x0] =	wrdreg $0x0  }
0xa8: {  	s5 =	sshll.u32 s28, $0x1;
	[dreg:$0x2] =	wrdreg s3  }
0xa9: {  	[dreg:$0x3] =	wrdreg s5  }
0xaa: {  	[dreg:$0x4] =	wrdreg $0xC0  }
0xab: {  	_ =	task [dreg:s7], $0x5FFFF  }
0xac: {  	[dreg:$0x1] =	wrdreg $0xFFFFFFFF  }
0xad: {  	[dreg:$0x0] =	wrdreg $0x60  }
0xae: {  	[dreg:$0x2] =	wrdreg s2  }
0xaf: {  	[dreg:$0x3] =	wrdreg s24  }
0xb0: {  	[dreg:$0x4] =	wrdreg $0x28800  }
0xb1: {  	[dreg:$0x5] =	wrdreg $0x9  }
0xb2: {  	_ =	task.clear_ibuf [dreg:s7], $0x6FFFF;
	_ =	strace $0x90000046  }
0xb3: {  	s29 =	simm.s32 $0x9;
	_ =	strace $0x80000048  }
0xb4: {  	_ =	swait.ge [sflag:s29], $0x1  }
0xb5: {  	[sflag:s29] =	ssyncadd.s32 $0xFFFFFFFF  }
0xb6: {  	_ =	strace $0x90000048  }
0xb7: {  	_ =	sfence  }
0xb8: {  	s30 =	sld [smem:$0x0];
	_ =	sdelay $0x2  }
0xb9: {  	s31 =	sshll.u32 s1, $0xD;
	s1 =	sshrl.u32 s1, $0x2  }
0xba: {  	s3 =	sand.u32 $0x4000, s31;
	s1 =	sadd.s32 s1, s30  }
0xbb: {  	s0 =	sor.u32 s3, s0;
	s1 =	sshll.u32 s1, $0x11  }
0xbc: {  	s0 =	sor.u32 s1, s0  }
0xbd: {  	s0 =	sadd.s32 $0x8F2B, s0  }
0xbe: {  	[sflag:s0] =	ssyncadd.remote.s32 $0x1  }
0xbf: {  	_ =	sfence.sel $0xFFFF  }
0xc0: {  	[dreg:$0x0] =	wrdreg $0xFFFFFFFF;
	(pc) =	sbr.abs _section_cstart, $3  }
0xc1: {  	[dreg:$0x1] =	wrdreg $0xFFFFFFFF  }
0xc2: {  	_ =	task.clear_ibuf [dreg:s7], $0x2FFFF;
	_ =	strace $0x9FFFFFFF  }
0xc3: {  	(tm) =	ssettm $0x7FFFFFFF  }
tec
execute0_lowered:
.L_overlay_start_1:
0x0: {  	(tag) =	ssettag $0x1  }
0x1: {  	s7 =	rddreg [dreg:$0x0]  }
0x2: {  	s5 =	rddreg [dreg:$0x1]  }
0x3: {  	s2 =	rddreg [dreg:$0x2]  }
0x4: {  	s0 =	rddreg [dreg:$0x3]  }
0x5: {  	s1 =	stileid.u32;
	s4 =	srdreg.scid;
	s3 =	simm.s32 $0x0  }
0x6: {  	s14 =	simm.s32 $0x1;
	s15 =	simm.s32 $0x0;
	s6 =	smul.u32 $0x280, s1  }
0x7: {  	s8 =	sand.u32 $0x1, s4;
	[smem:$0x7FF] =	sst s3;
	s4 =	sadd.s32 $0xBA00, s5  }
0x8: {  	s12 =	sshll.u32 s1, $0x6;
	s9 =	smul.u32 $0x2800, s8;
	_ =	strace $0x80000047  }
0x9: {  	s11 =	ssub.s32 $0x2, s8;
	s8 =	sshll.u32 s8, $0x4;
	s10 =	sshrl.u32 s6, $0x3  }
0xa: {  	s31 =	sshrl.u32 s11, $0x1;
	s8 =	sor.u32 s1, s8;
	s13 =	sadd.s32 s6, s2  }
0xb: {  	s10 =	sadd.s32 s10, s5;
	s9 =	sadd.s32 s6, s9;
	s11 =	ssub.s32 s11, s31  }
0xc: {  	s8 =	smul.u32 $0x500, s8;
	s6 =	sor.u32 $0x1C02, s12;
	s9 =	sshrl.u32 s9, $0x3  }
0xd: {  	s12 =	simm.s32 $0x2800;
	s9 =	sadd.s32 s9, s5;
	s5 =	sadd.s32 $0xB400, s10  }
0xe: {  	s7 =	sadd.s32 s7, s8;
	s10 =	sshrl.u32 s13, $0x3;
	s13 =	simm.s32 $0x80  }
0xf: {  	s8 =	sadd.s32 $0xBC00, s9;
	s9 =	smax.u32 s11, $0x1;
	s11 =	simm.s32 $0x2  }
.LBB2_1:
0x10: {  	[spmem:s10], [sflag:s6] =	dma.local [hbm:s5], $0x50  }
0x11: {  	_ =	swait.ge [sflag:s11], $0x50  }
0x12: {  	[sflag:s11] =	ssyncset.done $0x0  }
0x13: {  	[sflag:s11] =	ssyncadd.s32 $0xFFFFFFB0  }
0x14: {  	[tilespmem:s3], [sflag:$0x2] =	stream.linear.gather [hbm4b:s7+s3], $0x2800, $0x38;
	[tilespmem:$0x2B00] =	vst v63  }
0x15: {  	_ =	swait.ge [sflag:s11], $0x2800  }
0x16: {  	[sflag:s11] =	ssyncset.done $0x0  }
0x17: {  	[sflag:s11] =	ssyncadd.s32 $0xFFFFD800  }
0x18: {  	[tilespmem:s12], [sflag:$0x2] =	stream.linear.gather [hbm4b:s4+s3], $0x80, $0x38;
	[tilespmem:$0x2B00] =	vst v63  }
0x19: {  	_ =	swait.ge [sflag:s11], $0x80  }
0x1a: {  	[sflag:s11] =	ssyncset.done $0x0  }
0x1b: {  	[sflag:s11] =	ssyncadd.s32 $0xFFFFFF80  }
0x1c: {  	s16 =	simm.s32 $0x0;
	[bflag:$0x0] =	sbarrier.arrive $0xFFFF  }
.LBB2_2:
0x1d: {  	p0 =	sne.s32 s16, $0x9E00  }
.Ltmp0:
0x1e: {  	_ = 	snop;
	(pc) =	sbr.rel @p0 .LBB2_2-.Ltmp0, $3  }
0x1f: {  	_ =	sdelay $0x1  }
0x20: {  	s17 =	sshra.s32 s16, $0x2;
	s16 =	sadd.s32 $0x200, s16  }
0x21: {  	[spmem:s2] =	stream.indirect.scatter.add.f32 [tilespmem:s12], [sflag:$0x1], $0x1, s17, s13, $0xb8;
	[tilespmem:$0x2B00] =	vst v63  }
0x22: {  	_ =	swait.ge [sflag:s14], $0x80  }
0x23: {  	s16 =	simm.s32 $0x4F;
	[sflag:s14] =	ssyncset.done $0x0  }
.LBB2_4:
0x24: {  	p0 =	sne.s32 s16, $0x1;
	s16 =	sadd.s32 $0xFFFFFFFF, s16;
	[sflag:s14] =	ssyncadd.s32 $0xFFFFFF80  }
.Ltmp1:
0x25: {  	(pc) =	sbr.rel @p0 .LBB2_4-.Ltmp1, $3  }
0x26: {  	_ =	sdelay $0x1  }
0x27: {  	_ =	swait.ge [sflag:s14], $0x80  }
0x28: {  	[sflag:s14] =	ssyncset.done $0x0  }
0x29: {  	s15 =	sadd.s32 $0x1, s15  }
0x2a: {  	[sflag:s14] =	ssyncadd.s32 $0xFFFFFF80;
	p0 =	sne.s32 s15, s9  }
.Ltmp2:
0x2b: {  	[bflag:$0x0] =	sbarrier.arrive $0xFFFF;
	(pc) =	sbr.rel @p0 .LBB2_1-.Ltmp2, $4  }
0x2c: {  	[hbm:s8], [sflag:s6] =	dma.local [spmem:s10], $0x50  }
0x2d: {  	_ =	swait.ge [sflag:s11], $0x50  }
0x2e: {  	[sflag:s11] =	ssyncset.done $0x0  }
0x2f: {  	[sflag:s11] =	ssyncadd.s32 $0xFFFFFFB0  }
0x30: {  	_ =	sfence.sel $0x180000  }
0x31: {  	[bflag:$0x0] =	sbarrier.arrive $0xFFFF  }
0x32: {  	p0 =	sne.s32 s1, $0x0;
	_ =	strace $0x90000047  }
0x33: {  	s0 =	sadd.s32 @!p0 $0x100000, s0;
	[bflag:$0x2] =	sbarrier.arrive $0xFFFF  }
0x34: {  	[sflag:s0] =	ssyncadd.tile.s32 @!p0 $0x1;
	_ =	shalt  }
.Lfunc_end2:
_tile_overlayer_lowered:
.L_overlay_start_2:
0x35: {  	(tag) =	ssettag $0x2  }
0x36: {  	s0 =	rddreg [dreg:$0x0];
	s2 =	stileid.u32  }
0x37: {  	s1 =	rddreg [dreg:$0x1];
	p0 =	sne.s32 s2, $0x0  }
0x38: {  	s3 =	rddreg [dreg:$0x2];
	[bflag:$0x3] =	sbarrier.arrive $0xFFFF;
	s2 =	simm.s32 @!p0 $0x1C02  }
0x39: {  	[timem:s3], [sflag:s2] =	dma.local @!p0 [hbm:s0], s1  }
0x3a: {  	s0 =	simm.s32 @!p0 $0x2  }
0x3b: {  	_ =	swait.ge @!p0 [sflag:s0], s1  }
0x3c: {  	s1 =	ssub.s32 @!p0 $0x0, s1;
	[sflag:s0] =	ssyncset.done @!p0 $0x0  }
0x3d: {  	[sflag:s0] =	ssyncadd.s32 @!p0 s1  }
0x3e: {  	[bflag:$0x3] =	sbarrier.arrive $0xFFFF  }
0x3f: {  	_ =	shalt  }

</sc_bundles>
